<compile_context>
chip_gen: v7x
topology: tpu7x:2x2x1
jax: 0.10.2.dev20260603
libtpu: 0.0.44.dev20260713+nightly
codegen_flags: <defaults>
</compile_context>

<pallas_src>
import jax
import jax.numpy as jnp
from jax import lax
from jax.experimental import pallas as pl
from jax.experimental.pallas import tpu as pltpu
from jax.experimental.pallas import tpu_sc as plsc

NN = 10000
EE = 320000
FD = 128
MM = 100
NCLS = 16
NEG = 0.2

NROW = 10240
EPAD = 323584
EW = EPAD // 32
ECH = EW // 128
MDPAD = 10240
MDW = MDPAD // 32
RB = 1024
NBLK = NROW // RB

_mesh = plsc.VectorSubcoreMesh(core_axis_name="c", subcore_axis_name="s")


def _lrelu(t):
    return jnp.where(t >= 0, t, t * NEG)


def _dot(a, b):
    return jnp.dot(a, b, preferred_element_type=jnp.float32)


def _logsoftmax(z):
    m = jnp.max(z, axis=1, keepdims=True)
    zs = z - m
    return zs - jnp.log(jnp.sum(jnp.exp(zs), axis=1, keepdims=True))


def _deg_body(dst_hbm, md_hbm, cnt_out, mcnt_out, dbuf, acc, mbuf, macc):
    c = lax.axis_index("c")
    s = lax.axis_index("s")
    wid = c * 16 + s
    zeros16 = jnp.zeros((16,), jnp.float32)
    ones16 = jnp.ones((16,), jnp.float32)

    def z1(i, carry):
        acc[pl.ds(i * 16, 16)] = zeros16
        return carry
    lax.fori_loop(0, NROW // 16, z1, 0)
    for i in range(8):
        macc[pl.ds(i * 16, 16)] = zeros16

    pltpu.sync_copy(dst_hbm.at[pl.ds(wid * EW, EW)], dbuf)

    def cu(i, carry):
        idx = dbuf[pl.ds(i * 16, 16)]
        plsc.addupdate_scatter(acc, [idx], ones16)
        return carry
    lax.fori_loop(0, EW // 16, cu, 0)

    pltpu.sync_copy(md_hbm.at[pl.ds(wid * MDW, MDW)], mbuf)

    def cm(i, carry):
        idx = mbuf[pl.ds(i * 16, 16)]
        plsc.addupdate_scatter(macc, [idx], ones16)
        return carry
    lax.fori_loop(0, MDW // 16, cm, 0)

    pltpu.sync_copy(acc, cnt_out.at[c, s])
    pltpu.sync_copy(macc, mcnt_out.at[c, s])


_deg_call = pl.kernel(
    _deg_body,
    out_type=(jax.ShapeDtypeStruct((2, 16, NROW), jnp.float32),
              jax.ShapeDtypeStruct((2, 16, 128), jnp.float32)),
    mesh=_mesh,
    scratch_types=[
        pltpu.VMEM((EW,), jnp.int32),
        pltpu.VMEM((NROW,), jnp.float32),
        pltpu.VMEM((MDW,), jnp.int32),
        pltpu.VMEM((128,), jnp.float32),
    ],
    compiler_params=pltpu.CompilerParams(needs_layout_passes=False),
)


def _agg_body(xs_hbm, src_hbm, dst_hbm, out_hbm, idx_s, idx_d, rows, acc,
              sem):
    c = lax.axis_index("c")
    s = lax.axis_index("s")
    wid = c * 16 + s
    zeros16 = jnp.zeros((16,), jnp.float32)

    def zr(i, carry):
        def zc(j, carry2):
            rows[i, pl.ds(j * 16, 16)] = zeros16
            return carry2
        return lax.fori_loop(0, 8, zc, carry)
    lax.fori_loop(0, 128, zr, 0)
    for k in range(5):
        pltpu.sync_copy(rows, acc.at[pl.ds(s * 640 + k * 128, 128)])
    plsc.subcore_barrier()

    def step(k, carry):
        base = wid * EW + k * 128
        pltpu.sync_copy(src_hbm.at[pl.ds(base, 128)], idx_s)
        pltpu.sync_copy(dst_hbm.at[pl.ds(base, 128)], idx_d)
        pltpu.async_copy(xs_hbm.at[idx_s], rows, sem).wait()
        pltpu.sync_copy(rows, acc.at[idx_d], add=True)
        return carry
    lax.fori_loop(0, ECH, step, 0)

    plsc.subcore_barrier()
    for k in range(5):
        pltpu.sync_copy(acc.at[pl.ds(s * 640 + k * 128, 128)],
                        out_hbm.at[c, s, k])


_agg_call = pl.kernel(
    _agg_body,
    out_type=jax.ShapeDtypeStruct((2, 16, 5, 128, FD), jnp.float32),
    mesh=_mesh,
    scratch_types=[
        pltpu.VMEM((128,), jnp.int32),
        pltpu.VMEM((128,), jnp.int32),
        pltpu.VMEM((128, FD), jnp.float32),
        pltpu.VMEM_SHARED((NROW, FD), jnp.float32),
        pltpu.SemaphoreType.DMA,
    ],
)


def _tca_body(x_ref, cnt_ref, wl_ref, bl_ref, wc0_ref,
              xs1_ref, xw1_ref, dinv_ref):
    cnt = jnp.sum(cnt_ref[...], axis=0)
    dinv = lax.rsqrt(cnt + 1.0)
    h = _lrelu(_dot(x_ref[...], wl_ref[...]) + bl_ref[...][None, :])
    xw1 = _dot(h, wc0_ref[...])
    xs1_ref[...] = xw1 * dinv[:, None]
    xw1_ref[...] = xw1
    dinv_ref[...] = dinv


def _tca(xp, cnt32, W_lin, b_lin, Wc0):
    return pl.pallas_call(
        _tca_body,
        grid=(NBLK,),
        in_specs=[
            pl.BlockSpec((RB, FD), lambda i: (i, 0)),
            pl.BlockSpec((32, RB), lambda i: (0, i)),
            pl.BlockSpec((FD, FD), lambda i: (0, 0)),
            pl.BlockSpec((FD,), lambda i: (0,)),
            pl.BlockSpec((FD, FD), lambda i: (0, 0)),
        ],
        out_specs=[
            pl.BlockSpec((RB, FD), lambda i: (i, 0)),
            pl.BlockSpec((RB, FD), lambda i: (i, 0)),
            pl.BlockSpec((RB,), lambda i: (i,)),
        ],
        out_shape=[
            jax.ShapeDtypeStruct((NROW, FD), jnp.float32),
            jax.ShapeDtypeStruct((NROW, FD), jnp.float32),
            jax.ShapeDtypeStruct((NROW,), jnp.float32),
        ],
    )(xp, cnt32, W_lin, b_lin, Wc0)


def _tcc_body(p0_ref, p1_ref, xw1_ref, dinv_ref, bc0_ref, wc1_ref,
              xs2_ref, xw2_ref):
    dinv = dinv_ref[...]
    agg = p0_ref[...] + p1_ref[...]
    out1 = _lrelu(agg * dinv[:, None] + xw1_ref[...] * (dinv * dinv)[:, None]
                  + bc0_ref[...][None, :])
    xw2 = _dot(out1, wc1_ref[...])
    xs2_ref[...] = xw2 * dinv[:, None]
    xw2_ref[...] = xw2


def _tcc(p0, p1, xw1, dinv, bc0, Wc1):
    return pl.pallas_call(
        _tcc_body,
        grid=(NBLK,),
        in_specs=[
            pl.BlockSpec((RB, FD), lambda i: (i, 0)),
            pl.BlockSpec((RB, FD), lambda i: (i, 0)),
            pl.BlockSpec((RB, FD), lambda i: (i, 0)),
            pl.BlockSpec((RB,), lambda i: (i,)),
            pl.BlockSpec((FD,), lambda i: (0,)),
            pl.BlockSpec((FD, FD), lambda i: (0, 0)),
        ],
        out_specs=[
            pl.BlockSpec((RB, FD), lambda i: (i, 0)),
            pl.BlockSpec((RB, FD), lambda i: (i, 0)),
        ],
        out_shape=[
            jax.ShapeDtypeStruct((NROW, FD), jnp.float32),
            jax.ShapeDtypeStruct((NROW, FD), jnp.float32),
        ],
    )(p0, p1, xw1, dinv, bc0, Wc1)


def _te1_body(p0_ref, p1_ref, xw2_ref, dinv_ref, bc1_ref, wg_ref, md_ref,
              bg_ref, wcls_ref, bcls_ref, ls_ref, seg_ref):
    i = pl.program_id(0)
    dinv = dinv_ref[...]
    h2 = _lrelu((p0_ref[...] + p1_ref[...]) * dinv[:, None]
                + xw2_ref[...] * (dinv * dinv)[:, None]
                + bc1_ref[...][None, :])
    xwm = _dot(h2, wg_ref[...])
    ob = _lrelu(xwm + bg_ref[...][None, :])
    logits = _dot(ob, wcls_ref[...]) + bcls_ref[...][None, :]
    ls_ref[...] = _logsoftmax(logits)

    iota = lax.broadcasted_iota(jnp.int32, (128, RB), 0)
    oh = jnp.where(iota == md_ref[...][None, :], 1.0, 0.0).astype(jnp.float32)
    segc = _dot(oh, xwm)

    @pl.when(i == 0)
    def _init():
        seg_ref[...] = segc

    @pl.when(i != 0)
    def _accum():
        seg_ref[...] = seg_ref[...] + segc


def _te1(p0, p1, xw2, dinv, bc1, Wg, mdp, bg, Wcls, bcls):
    return pl.pallas_call(
        _te1_body,
        grid=(NBLK,),
        in_specs=[
            pl.BlockSpec((RB, FD), lambda i: (i, 0)),
            pl.BlockSpec((RB, FD), lambda i: (i, 0)),
            pl.BlockSpec((RB, FD), lambda i: (i, 0)),
            pl.BlockSpec((RB,), lambda i: (i,)),
            pl.BlockSpec((FD,), lambda i: (0,)),
            pl.BlockSpec((FD, FD), lambda i: (0, 0)),
            pl.BlockSpec((RB,), lambda i: (i,)),
            pl.BlockSpec((FD,), lambda i: (0,)),
            pl.BlockSpec((FD, NCLS), lambda i: (0, 0)),
            pl.BlockSpec((NCLS,), lambda i: (0,)),
        ],
        out_specs=[
            pl.BlockSpec((RB, NCLS), lambda i: (i, 0)),
            pl.BlockSpec((128, FD), lambda i: (0, 0)),
        ],
        out_shape=[
            jax.ShapeDtypeStruct((NROW, NCLS), jnp.float32),
            jax.ShapeDtypeStruct((128, FD), jnp.float32),
        ],
    )(p0, p1, xw2, dinv, bc1, Wg, mdp, bg, Wcls, bcls)


def _te2_body(seg_ref, mcnt_ref, mx_ref, wm_ref, bm_ref, wg_ref, bg_ref,
              wcls_ref, bcls_ref, out_ref):
    mcnt = jnp.sum(mcnt_ref[...], axis=0)
    dinvm = lax.rsqrt(mcnt + 1.0)
    mh = _lrelu(_dot(mx_ref[...], wm_ref[...]) + bm_ref[...][None, :])
    xwm = _dot(mh, wg_ref[...])
    seg104 = seg_ref[0:104, :]
    d104 = dinvm[0:104]
    hm = _lrelu(seg104 * d104[:, None] + xwm * (d104 * d104)[:, None]
                + bg_ref[...][None, :])
    logits = _dot(hm, wcls_ref[...]) + bcls_ref[...][None, :]
    out_ref[...] = _logsoftmax(logits)


def _te2(seg, mcnt32, mxp, W_meta, b_meta, Wg, bg, Wcls, bcls):
    return pl.pallas_call(
        _te2_body,
        out_shape=jax.ShapeDtypeStruct((104, NCLS), jnp.float32),
    )(seg, mcnt32, mxp, W_meta, b_meta, Wg, bg, Wcls, bcls)


def kernel(x, meta_x, edge_index, meta_edge_index, W_lin, b_lin, W_meta,
           b_meta, Wc0, bc0, Wc1, bc1, Wg, bg, Wcls, bcls):
    src = edge_index[0].astype(jnp.int32)
    dst = edge_index[1].astype(jnp.int32)
    srcp = jnp.concatenate([src, jnp.zeros((EPAD - EE,), jnp.int32)])
    dstp = jnp.concatenate([dst, jnp.full((EPAD - EE,), NN, jnp.int32)])
    mdp = jnp.concatenate([meta_edge_index[1].astype(jnp.int32) - NN,
                           jnp.full((MDPAD - NN,), MM, jnp.int32)])
    xp = jnp.concatenate([x, jnp.zeros((NROW - NN, FD), x.dtype)], axis=0)
    mxp = jnp.concatenate([meta_x, jnp.zeros((104 - MM, FD), meta_x.dtype)],
                          axis=0)

    cnt_parts, mcnt_parts = _deg_call(dstp, mdp)
    cnt32 = cnt_parts.reshape(32, NROW)
    mcnt32 = mcnt_parts.reshape(32, 128)

    xs1, xw1, dinv = _tca(xp, cnt32, W_lin, b_lin, Wc0)
    agg1 = _agg_call(xs1, srcp, dstp).reshape(2, NROW, FD)
    xs2, xw2 = _tcc(agg1[0], agg1[1], xw1, dinv, bc0, Wc1)
    agg2 = _agg_call(xs2, srcp, dstp).reshape(2, NROW, FD)
    base_ls, seg = _te1(agg2[0], agg2[1], xw2, dinv, bc1, Wg, mdp, bg,
                        Wcls, bcls)
    meta_ls = _te2(seg, mcnt32, mxp, W_meta, b_meta, Wg, bg, Wcls, bcls)
    return jnp.concatenate([base_ls[:NN], meta_ls[:MM]], axis=0)

# --- scband reference (transcript-rebuilt; emitter-appended) ---
"""Pipeline reference for scband-emgnn-16716012716348 (READ-ONLY COPY).

The authoritative reference and input builder live on the scoring server;
editing this copy changes nothing except your own understanding.
"""

import jax, jax.numpy as jnp
import numpy as np

N = 10000
E = 320000
FEAT = 128
HID = 128
NCLASS = 16
M = 100
ALPHA = 0.2


def gcn_conv(x, edge_index, W, b):
    # PyG GCNConv: add self loops, symmetric normalization, then scatter-add aggregate
    n = x.shape[0]
    src = jnp.concatenate([edge_index[0], jnp.arange(n)])
    dst = jnp.concatenate([edge_index[1], jnp.arange(n)])
    deg = jnp.zeros((n,), x.dtype).at[dst].add(1.0)
    dinv = jnp.where(deg > 0, 1.0 / jnp.sqrt(deg), 0.0)
    xw = x @ W
    norm = (dinv[src] * dinv[dst])[:, None]
    msg = jnp.take(xw, src, axis=0) * norm
    out = jnp.zeros((n, W.shape[1]), x.dtype).at[dst].add(msg)
    return out + b


def setup_inputs(seed: int = 0) -> dict:
    key = jax.random.key(seed)
    ks = jax.random.split(key, 20)
    x = jax.random.normal(ks[0], (N, FEAT), dtype=jnp.float32)
    edge_index = jax.random.randint(ks[1], (2, E), 0, N).astype(jnp.int64)
    meta_x = jax.random.normal(ks[2], (M, FEAT), dtype=jnp.float32)
    # each base node i connects to one meta node (index in [N, N+M)); GCNConv adds self loops itself
    meta_dst = jax.random.randint(ks[3], (N,), N, N + M).astype(jnp.int64)
    meta_edge_index = jnp.stack([jnp.arange(N, dtype=jnp.int64), meta_dst], axis=0)
    s = 0.05
    return {
        "x": x,
        "meta_x": meta_x,
        "edge_index": edge_index,
        "meta_edge_index": meta_edge_index,
        "W_lin": jax.random.normal(ks[4], (FEAT, HID), dtype=jnp.float32) * s,
        "b_lin": jnp.zeros((HID,), jnp.float32),
        "W_meta": jax.random.normal(ks[5], (FEAT, HID), dtype=jnp.float32) * s,
        "b_meta": jnp.zeros((HID,), jnp.float32),
        "Wc0": jax.random.normal(ks[6], (HID, HID), dtype=jnp.float32) * s,
        "bc0": jnp.zeros((HID,), jnp.float32),
        "Wc1": jax.random.normal(ks[7], (HID, HID), dtype=jnp.float32) * s,
        "bc1": jnp.zeros((HID,), jnp.float32),
        "Wg": jax.random.normal(ks[8], (HID, HID), dtype=jnp.float32) * s,
        "bg": jnp.zeros((HID,), jnp.float32),
        "Wcls": jax.random.normal(ks[9], (HID, NCLASS), dtype=jnp.float32) * s,
        "bcls": jnp.zeros((NCLASS,), jnp.float32),
    }


def reference(x, meta_x, edge_index, meta_edge_index, W_lin, b_lin, W_meta, b_meta, Wc0, bc0, Wc1, bc1, Wg, bg, Wcls, bcls):
    lrelu = lambda t: jax.nn.leaky_relu(t, negative_slope=ALPHA)
    h = lrelu(x @ W_lin + b_lin)
    meta_h = lrelu(meta_x @ W_meta + b_meta)
    # n_layers = 2 GCN convs on base graph (dropout p=0.0 -> no-op)
    h = lrelu(gcn_conv(h, edge_index, Wc0, bc0))
    h = lrelu(gcn_conv(h, edge_index, Wc1, bc1))
    # meta GNN over concatenated [base; meta] nodes
    hm = jnp.concatenate([h, meta_h], axis=0)
    hm = lrelu(gcn_conv(hm, meta_edge_index, Wg, bg))
    logits = hm @ Wcls + bcls
    return jax.nn.log_softmax(logits, axis=1)

if __name__ == "__main__":
    import jax
    _d = setup_inputs()
    print(jax.jit(kernel)(*tuple(_d.values())))

</pallas_src>

<mosaic_0001>
#map = affine_map<(d0, d1) -> (0, 0)>
#map1 = affine_map<(d0, d1) -> (0)>
#map2 = affine_map<(d0, d1) -> (0, 0, 0, 0, 0)>
module attributes {stable_mosaic.version = 14 : i64} {
  func.func @_agg_body(%arg0: i32, %arg1: i32, %arg2: memref<10240x128xf32, #tpu.memory_space<hbm>>, %arg3: memref<323584xi32, #tpu.memory_space<hbm>>, %arg4: memref<323584xi32, #tpu.memory_space<hbm>>, %arg5: memref<2x16x5x128x128xf32, #tpu.memory_space<hbm>>, %arg6: memref<128xi32, #tpu.memory_space<vmem>>, %arg7: memref<128xi32, #tpu.memory_space<vmem>>, %arg8: memref<128x128xf32, #tpu.memory_space<vmem>>, %arg9: memref<10240x128xf32, #tpu.memory_space<vmem_shared>>, %arg10: memref<!tpu.dma_semaphore, #tpu.memory_space<semaphore_mem>>) attributes {dimension_semantics = [#tpu.dimension_semantics<core_parallel>, #tpu.dimension_semantics<subcore_parallel>], iteration_bounds = array<i64: 2, 16>, scalar_prefetch = 0 : i64, scratch_operands = 5 : i64, tpu.core_type = #tpu.core_type<sc_vector_subcore>, window_params = [{transform_indices = #map}, {transform_indices = #map1}, {transform_indices = #map1}, {transform_indices = #map2}]} {
    %mul3A = arith.constant 16 : i32
    %mul3A_0 = arith.muli %arg0, %mul3A : i32
    %add3A = arith.addi %mul3A_0, %arg1 : i32
    %broadcast_in_dim3A = arith.constant 0.000000e+00 : f32
    %broadcast_in_dim3A_1 = vector.broadcast %broadcast_in_dim3A : f32 to vector<16xf32>
    %scan3A = arith.constant 0 : i32
    %scan3A_2 = arith.constant 0 : i32
    %scan3A_3 = arith.constant 128 : i32
    %scan3A_4 = arith.addi %scan3A_2, %scan3A_3 : i32
    %scan3A_5 = arith.constant 1 : i32
    scf.for %scan3A_58 = %scan3A_2 to %scan3A_4 step %scan3A_5  : i32 {
      %scan3A_59 = arith.constant 0 : i32
      %scan3A_60 = arith.constant 8 : i32
      %scan3A_61 = arith.addi %scan3A_59, %scan3A_60 : i32
      %scan3A_62 = arith.constant 1 : i32
      scf.for %scan3A_64 = %scan3A_59 to %scan3A_61 step %scan3A_62  : i32 {
        %mul3A_65 = arith.constant 16 : i32
        %mul3A_66 = arith.muli %scan3A_64, %mul3A_65 : i32
        %swap3A = arith.index_cast %scan3A_58 : i32 to index
        %swap3A_67 = arith.index_cast %mul3A_66 : i32 to index
        %swap3A_68 = tpu.vector_load %arg8[%swap3A, %swap3A_67] {strides = array<i32>} : memref<128x128xf32, #tpu.memory_space<vmem>>, vector<1x16xf32>,
        %swap3A_69 = vector.shape_cast %swap3A_68 : vector<1x16xf32> to vector<16xf32>
        %swap3A_70 = vector.shape_cast %broadcast_in_dim3A_1 : vector<16xf32> to vector<1x16xf32>
        tpu.vector_store %arg8[%swap3A, %swap3A_67], %swap3A_70 {strides = array<i32>} : memref<128x128xf32, #tpu.memory_space<vmem>>, vector<1x16xf32>,
      }
      %scan3A_63 = arith.constant 8 : i32
    }
    %scan3A_6 = arith.constant 128 : i32
    %mul3A_7 = arith.constant 640 : i32
    %mul3A_8 = arith.muli %arg1, %mul3A_7 : i32
    %add3A_9 = arith.constant 0 : i32
    %add3A_10 = arith.addi %mul3A_8, %add3A_9 : i32
    "tpu.region"() ({
      %run_scoped3A_58 = tpu.sem_alloc : memref<!tpu.dma_semaphore, #tpu.memory_space<semaphore_mem>>
      %dma_start3A = arith.constant 0 : i32
      %dma_start3A_59 = tpu.memref_slice %arg9[%add3A_10, %dma_start3A] : memref<10240x128xf32, #tpu.memory_space<vmem_shared>> -> memref<128x128xf32, #tpu.memory_space<vmem_shared>>
      %dma_start3A_60 = arith.constant 0 : i32
      %dma_start3A_61 = tpu.memref_slice %arg9[%add3A_10, %dma_start3A_60] : memref<10240x128xf32, #tpu.memory_space<vmem_shared>> -> memref<128x128xf32, #tpu.memory_space<vmem_shared>>
      tpu.enqueue_dma source(%arg8 : memref<128x128xf32, #tpu.memory_space<vmem>>) target(%dma_start3A_61 : memref<128x128xf32, #tpu.memory_space<vmem_shared>>) target_semaphore(%run_scoped3A_58 : memref<!tpu.dma_semaphore, #tpu.memory_space<semaphore_mem>>)
      %dma_wait3A = arith.constant 0 : i32
      %dma_wait3A_62 = tpu.memref_slice %arg9[%add3A_10, %dma_wait3A] : memref<10240x128xf32, #tpu.memory_space<vmem_shared>> -> memref<128x128xf32, #tpu.memory_space<vmem_shared>>
      %dma_wait3A_63 = arith.constant 0 : i32
      %dma_wait3A_64 = tpu.memref_slice %arg9[%add3A_10, %dma_wait3A_63] : memref<10240x128xf32, #tpu.memory_space<vmem_shared>> -> memref<128x128xf32, #tpu.memory_space<vmem_shared>>
      tpu.wait_dma2 semaphore(%run_scoped3A_58 : memref<!tpu.dma_semaphore, #tpu.memory_space<semaphore_mem>>) src(%arg8 : memref<128x128xf32, #tpu.memory_space<vmem>>) dst(%dma_wait3A_64 : memref<128x128xf32, #tpu.memory_space<vmem_shared>>)
      tpu.yield
    }) : () -> ()
    %mul3A_11 = arith.constant 640 : i32
    %mul3A_12 = arith.muli %arg1, %mul3A_11 : i32
    %add3A_13 = arith.constant 128 : i32
    %add3A_14 = arith.addi %mul3A_12, %add3A_13 : i32
    "tpu.region"() ({
      %run_scoped3A_58 = tpu.sem_alloc : memref<!tpu.dma_semaphore, #tpu.memory_space<semaphore_mem>>
      %dma_start3A = arith.constant 0 : i32
      %dma_start3A_59 = tpu.memref_slice %arg9[%add3A_14, %dma_start3A] : memref<10240x128xf32, #tpu.memory_space<vmem_shared>> -> memref<128x128xf32, #tpu.memory_space<vmem_shared>>
      %dma_start3A_60 = arith.constant 0 : i32
      %dma_start3A_61 = tpu.memref_slice %arg9[%add3A_14, %dma_start3A_60] : memref<10240x128xf32, #tpu.memory_space<vmem_shared>> -> memref<128x128xf32, #tpu.memory_space<vmem_shared>>
      tpu.enqueue_dma source(%arg8 : memref<128x128xf32, #tpu.memory_space<vmem>>) target(%dma_start3A_61 : memref<128x128xf32, #tpu.memory_space<vmem_shared>>) target_semaphore(%run_scoped3A_58 : memref<!tpu.dma_semaphore, #tpu.memory_space<semaphore_mem>>)
      %dma_wait3A = arith.constant 0 : i32
      %dma_wait3A_62 = tpu.memref_slice %arg9[%add3A_14, %dma_wait3A] : memref<10240x128xf32, #tpu.memory_space<vmem_shared>> -> memref<128x128xf32, #tpu.memory_space<vmem_shared>>
      %dma_wait3A_63 = arith.constant 0 : i32
      %dma_wait3A_64 = tpu.memref_slice %arg9[%add3A_14, %dma_wait3A_63] : memref<10240x128xf32, #tpu.memory_space<vmem_shared>> -> memref<128x128xf32, #tpu.memory_space<vmem_shared>>
      tpu.wait_dma2 semaphore(%run_scoped3A_58 : memref<!tpu.dma_semaphore, #tpu.memory_space<semaphore_mem>>) src(%arg8 : memref<128x128xf32, #tpu.memory_space<vmem>>) dst(%dma_wait3A_64 : memref<128x128xf32, #tpu.memory_space<vmem_shared>>)
      tpu.yield
    }) : () -> ()
    %mul3A_15 = arith.constant 640 : i32
    %mul3A_16 = arith.muli %arg1, %mul3A_15 : i32
    %add3A_17 = arith.constant 256 : i32
    %add3A_18 = arith.addi %mul3A_16, %add3A_17 : i32
    "tpu.region"() ({
      %run_scoped3A_58 = tpu.sem_alloc : memref<!tpu.dma_semaphore, #tpu.memory_space<semaphore_mem>>
      %dma_start3A = arith.constant 0 : i32
      %dma_start3A_59 = tpu.memref_slice %arg9[%add3A_18, %dma_start3A] : memref<10240x128xf32, #tpu.memory_space<vmem_shared>> -> memref<128x128xf32, #tpu.memory_space<vmem_shared>>
      %dma_start3A_60 = arith.constant 0 : i32
      %dma_start3A_61 = tpu.memref_slice %arg9[%add3A_18, %dma_start3A_60] : memref<10240x128xf32, #tpu.memory_space<vmem_shared>> -> memref<128x128xf32, #tpu.memory_space<vmem_shared>>
      tpu.enqueue_dma source(%arg8 : memref<128x128xf32, #tpu.memory_space<vmem>>) target(%dma_start3A_61 : memref<128x128xf32, #tpu.memory_space<vmem_shared>>) target_semaphore(%run_scoped3A_58 : memref<!tpu.dma_semaphore, #tpu.memory_space<semaphore_mem>>)
      %dma_wait3A = arith.constant 0 : i32
      %dma_wait3A_62 = tpu.memref_slice %arg9[%add3A_18, %dma_wait3A] : memref<10240x128xf32, #tpu.memory_space<vmem_shared>> -> memref<128x128xf32, #tpu.memory_space<vmem_shared>>
      %dma_wait3A_63 = arith.constant 0 : i32
      %dma_wait3A_64 = tpu.memref_slice %arg9[%add3A_18, %dma_wait3A_63] : memref<10240x128xf32, #tpu.memory_space<vmem_shared>> -> memref<128x128xf32, #tpu.memory_space<vmem_shared>>
      tpu.wait_dma2 semaphore(%run_scoped3A_58 : memref<!tpu.dma_semaphore, #tpu.memory_space<semaphore_mem>>) src(%arg8 : memref<128x128xf32, #tpu.memory_space<vmem>>) dst(%dma_wait3A_64 : memref<128x128xf32, #tpu.memory_space<vmem_shared>>)
      tpu.yield
    }) : () -> ()
    %mul3A_19 = arith.constant 640 : i32
    %mul3A_20 = arith.muli %arg1, %mul3A_19 : i32
    %add3A_21 = arith.constant 384 : i32
    %add3A_22 = arith.addi %mul3A_20, %add3A_21 : i32
    "tpu.region"() ({
      %run_scoped3A_58 = tpu.sem_alloc : memref<!tpu.dma_semaphore, #tpu.memory_space<semaphore_mem>>
      %dma_start3A = arith.constant 0 : i32
      %dma_start3A_59 = tpu.memref_slice %arg9[%add3A_22, %dma_start3A] : memref<10240x128xf32, #tpu.memory_space<vmem_shared>> -> memref<128x128xf32, #tpu.memory_space<vmem_shared>>
      %dma_start3A_60 = arith.constant 0 : i32
      %dma_start3A_61 = tpu.memref_slice %arg9[%add3A_22, %dma_start3A_60] : memref<10240x128xf32, #tpu.memory_space<vmem_shared>> -> memref<128x128xf32, #tpu.memory_space<vmem_shared>>
      tpu.enqueue_dma source(%arg8 : memref<128x128xf32, #tpu.memory_space<vmem>>) target(%dma_start3A_61 : memref<128x128xf32, #tpu.memory_space<vmem_shared>>) target_semaphore(%run_scoped3A_58 : memref<!tpu.dma_semaphore, #tpu.memory_space<semaphore_mem>>)
      %dma_wait3A = arith.constant 0 : i32
      %dma_wait3A_62 = tpu.memref_slice %arg9[%add3A_22, %dma_wait3A] : memref<10240x128xf32, #tpu.memory_space<vmem_shared>> -> memref<128x128xf32, #tpu.memory_space<vmem_shared>>
      %dma_wait3A_63 = arith.constant 0 : i32
      %dma_wait3A_64 = tpu.memref_slice %arg9[%add3A_22, %dma_wait3A_63] : memref<10240x128xf32, #tpu.memory_space<vmem_shared>> -> memref<128x128xf32, #tpu.memory_space<vmem_shared>>
      tpu.wait_dma2 semaphore(%run_scoped3A_58 : memref<!tpu.dma_semaphore, #tpu.memory_space<semaphore_mem>>) src(%arg8 : memref<128x128xf32, #tpu.memory_space<vmem>>) dst(%dma_wait3A_64 : memref<128x128xf32, #tpu.memory_space<vmem_shared>>)
      tpu.yield
    }) : () -> ()
    %mul3A_23 = arith.constant 640 : i32
    %mul3A_24 = arith.muli %arg1, %mul3A_23 : i32
    %add3A_25 = arith.constant 512 : i32
    %add3A_26 = arith.addi %mul3A_24, %add3A_25 : i32
    "tpu.region"() ({
      %run_scoped3A_58 = tpu.sem_alloc : memref<!tpu.dma_semaphore, #tpu.memory_space<semaphore_mem>>
      %dma_start3A = arith.constant 0 : i32
      %dma_start3A_59 = tpu.memref_slice %arg9[%add3A_26, %dma_start3A] : memref<10240x128xf32, #tpu.memory_space<vmem_shared>> -> memref<128x128xf32, #tpu.memory_space<vmem_shared>>
      %dma_start3A_60 = arith.constant 0 : i32
      %dma_start3A_61 = tpu.memref_slice %arg9[%add3A_26, %dma_start3A_60] : memref<10240x128xf32, #tpu.memory_space<vmem_shared>> -> memref<128x128xf32, #tpu.memory_space<vmem_shared>>
      tpu.enqueue_dma source(%arg8 : memref<128x128xf32, #tpu.memory_space<vmem>>) target(%dma_start3A_61 : memref<128x128xf32, #tpu.memory_space<vmem_shared>>) target_semaphore(%run_scoped3A_58 : memref<!tpu.dma_semaphore, #tpu.memory_space<semaphore_mem>>)
      %dma_wait3A = arith.constant 0 : i32
      %dma_wait3A_62 = tpu.memref_slice %arg9[%add3A_26, %dma_wait3A] : memref<10240x128xf32, #tpu.memory_space<vmem_shared>> -> memref<128x128xf32, #tpu.memory_space<vmem_shared>>
      %dma_wait3A_63 = arith.constant 0 : i32
      %dma_wait3A_64 = tpu.memref_slice %arg9[%add3A_26, %dma_wait3A_63] : memref<10240x128xf32, #tpu.memory_space<vmem_shared>> -> memref<128x128xf32, #tpu.memory_space<vmem_shared>>
      tpu.wait_dma2 semaphore(%run_scoped3A_58 : memref<!tpu.dma_semaphore, #tpu.memory_space<semaphore_mem>>) src(%arg8 : memref<128x128xf32, #tpu.memory_space<vmem>>) dst(%dma_wait3A_64 : memref<128x128xf32, #tpu.memory_space<vmem_shared>>)
      tpu.yield
    }) : () -> ()
    %barrier3A = arith.constant 0 : index
    tpu.barrier barrier_id(%barrier3A)
    %scan3A_27 = arith.constant 0 : i32
    %scan3A_28 = arith.constant 0 : i32
    %scan3A_29 = arith.constant 79 : i32
    %scan3A_30 = arith.addi %scan3A_28, %scan3A_29 : i32
    %scan3A_31 = arith.constant 1 : i32
    scf.for %scan3A_58 = %scan3A_28 to %scan3A_30 step %scan3A_31  : i32 {
      %mul3A_59 = arith.constant 10112 : i32
      %mul3A_60 = arith.muli %add3A, %mul3A_59 : i32
      %mul3A_61 = arith.constant 128 : i32
      %mul3A_62 = arith.muli %scan3A_58, %mul3A_61 : i32
      %add3A_63 = arith.addi %mul3A_60, %mul3A_62 : i32
      "tpu.region"() ({
        %run_scoped3A_68 = tpu.sem_alloc : memref<!tpu.dma_semaphore, #tpu.memory_space<semaphore_mem>>
        %dma_start3A_69 = tpu.memref_slice %arg3[%add3A_63] : memref<323584xi32, #tpu.memory_space<hbm>> -> memref<128xi32, #tpu.memory_space<hbm>>
        %dma_start3A_70 = tpu.memref_slice %arg3[%add3A_63] : memref<323584xi32, #tpu.memory_space<hbm>> -> memref<128xi32, #tpu.memory_space<hbm>>
        tpu.enqueue_dma source(%dma_start3A_70 : memref<128xi32, #tpu.memory_space<hbm>>) target(%arg6 : memref<128xi32, #tpu.memory_space<vmem>>) target_semaphore(%run_scoped3A_68 : memref<!tpu.dma_semaphore, #tpu.memory_space<semaphore_mem>>)
        %dma_wait3A_71 = tpu.memref_slice %arg3[%add3A_63] : memref<323584xi32, #tpu.memory_space<hbm>> -> memref<128xi32, #tpu.memory_space<hbm>>
        %dma_wait3A_72 = tpu.memref_slice %arg3[%add3A_63] : memref<323584xi32, #tpu.memory_space<hbm>> -> memref<128xi32, #tpu.memory_space<hbm>>
        tpu.wait_dma2 semaphore(%run_scoped3A_68 : memref<!tpu.dma_semaphore, #tpu.memory_space<semaphore_mem>>) src(%dma_wait3A_72 : memref<128xi32, #tpu.memory_space<hbm>>) dst(%arg6 : memref<128xi32, #tpu.memory_space<vmem>>)
        tpu.yield
      }) : () -> ()
      "tpu.region"() ({
        %run_scoped3A_68 = tpu.sem_alloc : memref<!tpu.dma_semaphore, #tpu.memory_space<semaphore_mem>>
        %dma_start3A_69 = tpu.memref_slice %arg4[%add3A_63] : memref<323584xi32, #tpu.memory_space<hbm>> -> memref<128xi32, #tpu.memory_space<hbm>>
        %dma_start3A_70 = tpu.memref_slice %arg4[%add3A_63] : memref<323584xi32, #tpu.memory_space<hbm>> -> memref<128xi32, #tpu.memory_space<hbm>>
        tpu.enqueue_dma source(%dma_start3A_70 : memref<128xi32, #tpu.memory_space<hbm>>) target(%arg7 : memref<128xi32, #tpu.memory_space<vmem>>) target_semaphore(%run_scoped3A_68 : memref<!tpu.dma_semaphore, #tpu.memory_space<semaphore_mem>>)
        %dma_wait3A_71 = tpu.memref_slice %arg4[%add3A_63] : memref<323584xi32, #tpu.memory_space<hbm>> -> memref<128xi32, #tpu.memory_space<hbm>>
        %dma_wait3A_72 = tpu.memref_slice %arg4[%add3A_63] : memref<323584xi32, #tpu.memory_space<hbm>> -> memref<128xi32, #tpu.memory_space<hbm>>
        tpu.wait_dma2 semaphore(%run_scoped3A_68 : memref<!tpu.dma_semaphore, #tpu.memory_space<semaphore_mem>>) src(%dma_wait3A_72 : memref<128xi32, #tpu.memory_space<hbm>>) dst(%arg7 : memref<128xi32, #tpu.memory_space<vmem>>)
        tpu.yield
      }) : () -> ()
      %dma_start3A = arith.constant 0 : i32
      %dma_start3A_64 = arith.constant 0 : i32
      %dma_start3A_65 = tpu.memref_slice %arg2[%dma_start3A, %dma_start3A_64] : memref<10240x128xf32, #tpu.memory_space<hbm>> -> memref<10240x128xf32, #tpu.memory_space<hbm>>
      tpu.enqueue_indirect_dma source(%dma_start3A_65 : memref<10240x128xf32, #tpu.memory_space<hbm>>) target(%arg8 : memref<128x128xf32, #tpu.memory_space<vmem>>) offsets(%arg6 : memref<128xi32, #tpu.memory_space<vmem>>) semaphore(%arg10 : memref<!tpu.dma_semaphore, #tpu.memory_space<semaphore_mem>>)
      %dma_wait3A = arith.constant 0 : i32
      %dma_wait3A_66 = arith.constant 0 : i32
      %dma_wait3A_67 = tpu.memref_slice %arg2[%dma_wait3A, %dma_wait3A_66] : memref<10240x128xf32, #tpu.memory_space<hbm>> -> memref<10240x128xf32, #tpu.memory_space<hbm>>
      tpu.wait_indirect_dma semaphore(%arg10 : memref<!tpu.dma_semaphore, #tpu.memory_space<semaphore_mem>>) src(%dma_wait3A_67 : memref<10240x128xf32, #tpu.memory_space<hbm>>) dst(%arg8 : memref<128x128xf32, #tpu.memory_space<vmem>>)
      "tpu.region"() ({
        %run_scoped3A_68 = tpu.sem_alloc : memref<!tpu.dma_semaphore, #tpu.memory_space<semaphore_mem>>
        %dma_start3A_69 = arith.constant 0 : i32
        %dma_start3A_70 = arith.constant 0 : i32
        %dma_start3A_71 = tpu.memref_slice %arg9[%dma_start3A_69, %dma_start3A_70] : memref<10240x128xf32, #tpu.memory_space<vmem_shared>> -> memref<10240x128xf32, #tpu.memory_space<vmem_shared>>
        tpu.enqueue_indirect_dma source(%arg8 : memref<128x128xf32, #tpu.memory_space<vmem>>) target(%dma_start3A_71 : memref<10240x128xf32, #tpu.memory_space<vmem_shared>>) offsets(%arg7 : memref<128xi32, #tpu.memory_space<vmem>>) semaphore(%run_scoped3A_68 : memref<!tpu.dma_semaphore, #tpu.memory_space<semaphore_mem>>) {add = true}
        %dma_wait3A_72 = arith.constant 0 : i32
        %dma_wait3A_73 = arith.constant 0 : i32
        %dma_wait3A_74 = tpu.memref_slice %arg9[%dma_wait3A_72, %dma_wait3A_73] : memref<10240x128xf32, #tpu.memory_space<vmem_shared>> -> memref<10240x128xf32, #tpu.memory_space<vmem_shared>>
        tpu.wait_indirect_dma semaphore(%run_scoped3A_68 : memref<!tpu.dma_semaphore, #tpu.memory_space<semaphore_mem>>) src(%arg8 : memref<128x128xf32, #tpu.memory_space<vmem>>) dst(%dma_wait3A_74 : memref<10240x128xf32, #tpu.memory_space<vmem_shared>>)
        tpu.yield
      }) : () -> ()
    }
    %scan3A_32 = arith.constant 79 : i32
    %barrier3A_33 = arith.constant 0 : index
    tpu.barrier barrier_id(%barrier3A_33)
    %mul3A_34 = arith.constant 640 : i32
    %mul3A_35 = arith.muli %arg1, %mul3A_34 : i32
    %add3A_36 = arith.constant 0 : i32
    %add3A_37 = arith.addi %mul3A_35, %add3A_36 : i32
    %run_scoped3A = arith.constant 0 : i32
    "tpu.region"() ({
      %run_scoped3A_58 = tpu.sem_alloc : memref<!tpu.dma_semaphore, #tpu.memory_space<semaphore_mem>>
      %dma_start3A = arith.constant 0 : i32
      %dma_start3A_59 = arith.constant 0 : i32
      %dma_start3A_60 = tpu.memref_slice %arg5[%arg0, %arg1, %run_scoped3A, %dma_start3A, %dma_start3A_59] : memref<2x16x5x128x128xf32, #tpu.memory_space<hbm>> -> memref<1x1x1x128x128xf32, #tpu.memory_space<hbm>>
      %dma_start3A_61 = tpu.memref_squeeze %dma_start3A_60 : memref<1x1x1x128x128xf32, #tpu.memory_space<hbm>> -> memref<128x128xf32, #tpu.memory_space<hbm>>
      %dma_start3A_62 = arith.constant 0 : i32
      %dma_start3A_63 = tpu.memref_slice %arg9[%add3A_37, %dma_start3A_62] : memref<10240x128xf32, #tpu.memory_space<vmem_shared>> -> memref<128x128xf32, #tpu.memory_space<vmem_shared>>
      tpu.enqueue_dma source(%dma_start3A_63 : memref<128x128xf32, #tpu.memory_space<vmem_shared>>) target(%dma_start3A_61 : memref<128x128xf32, #tpu.memory_space<hbm>>) target_semaphore(%run_scoped3A_58 : memref<!tpu.dma_semaphore, #tpu.memory_space<semaphore_mem>>)
      %dma_wait3A = arith.constant 0 : i32
      %dma_wait3A_64 = arith.constant 0 : i32
      %dma_wait3A_65 = tpu.memref_slice %arg5[%arg0, %arg1, %run_scoped3A, %dma_wait3A, %dma_wait3A_64] : memref<2x16x5x128x128xf32, #tpu.memory_space<hbm>> -> memref<1x1x1x128x128xf32, #tpu.memory_space<hbm>>
      %dma_wait3A_66 = tpu.memref_squeeze %dma_wait3A_65 : memref<1x1x1x128x128xf32, #tpu.memory_space<hbm>> -> memref<128x128xf32, #tpu.memory_space<hbm>>
      %dma_wait3A_67 = arith.constant 0 : i32
      %dma_wait3A_68 = tpu.memref_slice %arg9[%add3A_37, %dma_wait3A_67] : memref<10240x128xf32, #tpu.memory_space<vmem_shared>> -> memref<128x128xf32, #tpu.memory_space<vmem_shared>>
      tpu.wait_dma2 semaphore(%run_scoped3A_58 : memref<!tpu.dma_semaphore, #tpu.memory_space<semaphore_mem>>) src(%dma_wait3A_68 : memref<128x128xf32, #tpu.memory_space<vmem_shared>>) dst(%dma_wait3A_66 : memref<128x128xf32, #tpu.memory_space<hbm>>)
      tpu.yield
    }) : () -> ()
    %mul3A_38 = arith.constant 640 : i32
    %mul3A_39 = arith.muli %arg1, %mul3A_38 : i32
    %add3A_40 = arith.constant 128 : i32
    %add3A_41 = arith.addi %mul3A_39, %add3A_40 : i32
    %run_scoped3A_42 = arith.constant 1 : i32
    "tpu.region"() ({
      %run_scoped3A_58 = tpu.sem_alloc : memref<!tpu.dma_semaphore, #tpu.memory_space<semaphore_mem>>
      %dma_start3A = arith.constant 0 : i32
      %dma_start3A_59 = arith.constant 0 : i32
      %dma_start3A_60 = tpu.memref_slice %arg5[%arg0, %arg1, %run_scoped3A_42, %dma_start3A, %dma_start3A_59] : memref<2x16x5x128x128xf32, #tpu.memory_space<hbm>> -> memref<1x1x1x128x128xf32, #tpu.memory_space<hbm>>
      %dma_start3A_61 = tpu.memref_squeeze %dma_start3A_60 : memref<1x1x1x128x128xf32, #tpu.memory_space<hbm>> -> memref<128x128xf32, #tpu.memory_space<hbm>>
      %dma_start3A_62 = arith.constant 0 : i32
      %dma_start3A_63 = tpu.memref_slice %arg9[%add3A_41, %dma_start3A_62] : memref<10240x128xf32, #tpu.memory_space<vmem_shared>> -> memref<128x128xf32, #tpu.memory_space<vmem_shared>>
      tpu.enqueue_dma source(%dma_start3A_63 : memref<128x128xf32, #tpu.memory_space<vmem_shared>>) target(%dma_start3A_61 : memref<128x128xf32, #tpu.memory_space<hbm>>) target_semaphore(%run_scoped3A_58 : memref<!tpu.dma_semaphore, #tpu.memory_space<semaphore_mem>>)
      %dma_wait3A = arith.constant 0 : i32
      %dma_wait3A_64 = arith.constant 0 : i32
      %dma_wait3A_65 = tpu.memref_slice %arg5[%arg0, %arg1, %run_scoped3A_42, %dma_wait3A, %dma_wait3A_64] : memref<2x16x5x128x128xf32, #tpu.memory_space<hbm>> -> memref<1x1x1x128x128xf32, #tpu.memory_space<hbm>>
      %dma_wait3A_66 = tpu.memref_squeeze %dma_wait3A_65 : memref<1x1x1x128x128xf32, #tpu.memory_space<hbm>> -> memref<128x128xf32, #tpu.memory_space<hbm>>
      %dma_wait3A_67 = arith.constant 0 : i32
      %dma_wait3A_68 = tpu.memref_slice %arg9[%add3A_41, %dma_wait3A_67] : memref<10240x128xf32, #tpu.memory_space<vmem_shared>> -> memref<128x128xf32, #tpu.memory_space<vmem_shared>>
      tpu.wait_dma2 semaphore(%run_scoped3A_58 : memref<!tpu.dma_semaphore, #tpu.memory_space<semaphore_mem>>) src(%dma_wait3A_68 : memref<128x128xf32, #tpu.memory_space<vmem_shared>>) dst(%dma_wait3A_66 : memref<128x128xf32, #tpu.memory_space<hbm>>)
      tpu.yield
    }) : () -> ()
    %mul3A_43 = arith.constant 640 : i32
    %mul3A_44 = arith.muli %arg1, %mul3A_43 : i32
    %add3A_45 = arith.constant 256 : i32
    %add3A_46 = arith.addi %mul3A_44, %add3A_45 : i32
    %run_scoped3A_47 = arith.constant 2 : i32
    "tpu.region"() ({
      %run_scoped3A_58 = tpu.sem_alloc : memref<!tpu.dma_semaphore, #tpu.memory_space<semaphore_mem>>
      %dma_start3A = arith.constant 0 : i32
      %dma_start3A_59 = arith.constant 0 : i32
      %dma_start3A_60 = tpu.memref_slice %arg5[%arg0, %arg1, %run_scoped3A_47, %dma_start3A, %dma_start3A_59] : memref<2x16x5x128x128xf32, #tpu.memory_space<hbm>> -> memref<1x1x1x128x128xf32, #tpu.memory_space<hbm>>
      %dma_start3A_61 = tpu.memref_squeeze %dma_start3A_60 : memref<1x1x1x128x128xf32, #tpu.memory_space<hbm>> -> memref<128x128xf32, #tpu.memory_space<hbm>>
      %dma_start3A_62 = arith.constant 0 : i32
      %dma_start3A_63 = tpu.memref_slice %arg9[%add3A_46, %dma_start3A_62] : memref<10240x128xf32, #tpu.memory_space<vmem_shared>> -> memref<128x128xf32, #tpu.memory_space<vmem_shared>>
      tpu.enqueue_dma source(%dma_start3A_63 : memref<128x128xf32, #tpu.memory_space<vmem_shared>>) target(%dma_start3A_61 : memref<128x128xf32, #tpu.memory_space<hbm>>) target_semaphore(%run_scoped3A_58 : memref<!tpu.dma_semaphore, #tpu.memory_space<semaphore_mem>>)
      %dma_wait3A = arith.constant 0 : i32
      %dma_wait3A_64 = arith.constant 0 : i32
      %dma_wait3A_65 = tpu.memref_slice %arg5[%arg0, %arg1, %run_scoped3A_47, %dma_wait3A, %dma_wait3A_64] : memref<2x16x5x128x128xf32, #tpu.memory_space<hbm>> -> memref<1x1x1x128x128xf32, #tpu.memory_space<hbm>>
      %dma_wait3A_66 = tpu.memref_squeeze %dma_wait3A_65 : memref<1x1x1x128x128xf32, #tpu.memory_space<hbm>> -> memref<128x128xf32, #tpu.memory_space<hbm>>
      %dma_wait3A_67 = arith.constant 0 : i32
      %dma_wait3A_68 = tpu.memref_slice %arg9[%add3A_46, %dma_wait3A_67] : memref<10240x128xf32, #tpu.memory_space<vmem_shared>> -> memref<128x128xf32, #tpu.memory_space<vmem_shared>>
      tpu.wait_dma2 semaphore(%run_scoped3A_58 : memref<!tpu.dma_semaphore, #tpu.memory_space<semaphore_mem>>) src(%dma_wait3A_68 : memref<128x128xf32, #tpu.memory_space<vmem_shared>>) dst(%dma_wait3A_66 : memref<128x128xf32, #tpu.memory_space<hbm>>)
      tpu.yield
    }) : () -> ()
    %mul3A_48 = arith.constant 640 : i32
    %mul3A_49 = arith.muli %arg1, %mul3A_48 : i32
    %add3A_50 = arith.constant 384 : i32
    %add3A_51 = arith.addi %mul3A_49, %add3A_50 : i32
    %run_scoped3A_52 = arith.constant 3 : i32
    "tpu.region"() ({
      %run_scoped3A_58 = tpu.sem_alloc : memref<!tpu.dma_semaphore, #tpu.memory_space<semaphore_mem>>
      %dma_start3A = arith.constant 0 : i32
      %dma_start3A_59 = arith.constant 0 : i32
      %dma_start3A_60 = tpu.memref_slice %arg5[%arg0, %arg1, %run_scoped3A_52, %dma_start3A, %dma_start3A_59] : memref<2x16x5x128x128xf32, #tpu.memory_space<hbm>> -> memref<1x1x1x128x128xf32, #tpu.memory_space<hbm>>
      %dma_start3A_61 = tpu.memref_squeeze %dma_start3A_60 : memref<1x1x1x128x128xf32, #tpu.memory_space<hbm>> -> memref<128x128xf32, #tpu.memory_space<hbm>>
      %dma_start3A_62 = arith.constant 0 : i32
      %dma_start3A_63 = tpu.memref_slice %arg9[%add3A_51, %dma_start3A_62] : memref<10240x128xf32, #tpu.memory_space<vmem_shared>> -> memref<128x128xf32, #tpu.memory_space<vmem_shared>>
      tpu.enqueue_dma source(%dma_start3A_63 : memref<128x128xf32, #tpu.memory_space<vmem_shared>>) target(%dma_start3A_61 : memref<128x128xf32, #tpu.memory_space<hbm>>) target_semaphore(%run_scoped3A_58 : memref<!tpu.dma_semaphore, #tpu.memory_space<semaphore_mem>>)
      %dma_wait3A = arith.constant 0 : i32
      %dma_wait3A_64 = arith.constant 0 : i32
      %dma_wait3A_65 = tpu.memref_slice %arg5[%arg0, %arg1, %run_scoped3A_52, %dma_wait3A, %dma_wait3A_64] : memref<2x16x5x128x128xf32, #tpu.memory_space<hbm>> -> memref<1x1x1x128x128xf32, #tpu.memory_space<hbm>>
      %dma_wait3A_66 = tpu.memref_squeeze %dma_wait3A_65 : memref<1x1x1x128x128xf32, #tpu.memory_space<hbm>> -> memref<128x128xf32, #tpu.memory_space<hbm>>
      %dma_wait3A_67 = arith.constant 0 : i32
      %dma_wait3A_68 = tpu.memref_slice %arg9[%add3A_51, %dma_wait3A_67] : memref<10240x128xf32, #tpu.memory_space<vmem_shared>> -> memref<128x128xf32, #tpu.memory_space<vmem_shared>>
      tpu.wait_dma2 semaphore(%run_scoped3A_58 : memref<!tpu.dma_semaphore, #tpu.memory_space<semaphore_mem>>) src(%dma_wait3A_68 : memref<128x128xf32, #tpu.memory_space<vmem_shared>>) dst(%dma_wait3A_66 : memref<128x128xf32, #tpu.memory_space<hbm>>)
      tpu.yield
    }) : () -> ()
    %mul3A_53 = arith.constant 640 : i32
    %mul3A_54 = arith.muli %arg1, %mul3A_53 : i32
    %add3A_55 = arith.constant 512 : i32
    %add3A_56 = arith.addi %mul3A_54, %add3A_55 : i32
    %run_scoped3A_57 = arith.constant 4 : i32
    "tpu.region"() ({
      %run_scoped3A_58 = tpu.sem_alloc : memref<!tpu.dma_semaphore, #tpu.memory_space<semaphore_mem>>
      %dma_start3A = arith.constant 0 : i32
      %dma_start3A_59 = arith.constant 0 : i32
      %dma_start3A_60 = tpu.memref_slice %arg5[%arg0, %arg1, %run_scoped3A_57, %dma_start3A, %dma_start3A_59] : memref<2x16x5x128x128xf32, #tpu.memory_space<hbm>> -> memref<1x1x1x128x128xf32, #tpu.memory_space<hbm>>
      %dma_start3A_61 = tpu.memref_squeeze %dma_start3A_60 : memref<1x1x1x128x128xf32, #tpu.memory_space<hbm>> -> memref<128x128xf32, #tpu.memory_space<hbm>>
      %dma_start3A_62 = arith.constant 0 : i32
      %dma_start3A_63 = tpu.memref_slice %arg9[%add3A_56, %dma_start3A_62] : memref<10240x128xf32, #tpu.memory_space<vmem_shared>> -> memref<128x128xf32, #tpu.memory_space<vmem_shared>>
      tpu.enqueue_dma source(%dma_start3A_63 : memref<128x128xf32, #tpu.memory_space<vmem_shared>>) target(%dma_start3A_61 : memref<128x128xf32, #tpu.memory_space<hbm>>) target_semaphore(%run_scoped3A_58 : memref<!tpu.dma_semaphore, #tpu.memory_space<semaphore_mem>>)
      %dma_wait3A = arith.constant 0 : i32
      %dma_wait3A_64 = arith.constant 0 : i32
      %dma_wait3A_65 = tpu.memref_slice %arg5[%arg0, %arg1, %run_scoped3A_57, %dma_wait3A, %dma_wait3A_64] : memref<2x16x5x128x128xf32, #tpu.memory_space<hbm>> -> memref<1x1x1x128x128xf32, #tpu.memory_space<hbm>>
      %dma_wait3A_66 = tpu.memref_squeeze %dma_wait3A_65 : memref<1x1x1x128x128xf32, #tpu.memory_space<hbm>> -> memref<128x128xf32, #tpu.memory_space<hbm>>
      %dma_wait3A_67 = arith.constant 0 : i32
      %dma_wait3A_68 = tpu.memref_slice %arg9[%add3A_56, %dma_wait3A_67] : memref<10240x128xf32, #tpu.memory_space<vmem_shared>> -> memref<128x128xf32, #tpu.memory_space<vmem_shared>>
      tpu.wait_dma2 semaphore(%run_scoped3A_58 : memref<!tpu.dma_semaphore, #tpu.memory_space<semaphore_mem>>) src(%dma_wait3A_68 : memref<128x128xf32, #tpu.memory_space<vmem_shared>>) dst(%dma_wait3A_66 : memref<128x128xf32, #tpu.memory_space<hbm>>)
      tpu.yield
    }) : () -> ()
    return
  }
}

#map = affine_map<(d0, d1) -> (0)>
#map1 = affine_map<(d0, d1) -> (0, 0, 0)>
module attributes {stable_mosaic.version = 14 : i64} {
  func.func @_deg_body(%arg0: i32, %arg1: i32, %arg2: memref<323584xi32, #tpu.memory_space<hbm>>, %arg3: memref<10240xi32, #tpu.memory_space<hbm>>, %arg4: memref<2x16x10240xf32, #tpu.memory_space<hbm>>, %arg5: memref<2x16x128xf32, #tpu.memory_space<hbm>>, %arg6: memref<10112xi32, #tpu.memory_space<vmem>>, %arg7: memref<10240xf32, #tpu.memory_space<vmem>>, %arg8: memref<320xi32, #tpu.memory_space<vmem>>, %arg9: memref<128xf32, #tpu.memory_space<vmem>>) attributes {dimension_semantics = [#tpu.dimension_semantics<core_parallel>, #tpu.dimension_semantics<subcore_parallel>], iteration_bounds = array<i64: 2, 16>, scalar_prefetch = 0 : i64, scratch_operands = 4 : i64, tpu.core_type = #tpu.core_type<sc_vector_subcore>, window_params = [{transform_indices = #map}, {transform_indices = #map}, {transform_indices = #map1}, {transform_indices = #map1}]} {
    %mul3A = arith.constant 16 : i32
    %mul3A_0 = arith.muli %arg0, %mul3A : i32
    %add3A = arith.addi %mul3A_0, %arg1 : i32
    %broadcast_in_dim3A = arith.constant 0.000000e+00 : f32
    %broadcast_in_dim3A_1 = vector.broadcast %broadcast_in_dim3A : f32 to vector<16xf32>
    %broadcast_in_dim3A_2 = arith.constant 1.000000e+00 : f32
    %broadcast_in_dim3A_3 = vector.broadcast %broadcast_in_dim3A_2 : f32 to vector<16xf32>
    %scan3A = arith.constant 0 : i32
    %scan3A_4 = arith.constant 0 : i32
    %scan3A_5 = arith.constant 640 : i32
    %scan3A_6 = arith.addi %scan3A_4, %scan3A_5 : i32
    %scan3A_7 = arith.constant 1 : i32
    scf.for %scan3A_40 = %scan3A_4 to %scan3A_6 step %scan3A_7  : i32 {
      %mul3A_41 = arith.constant 16 : i32
      %mul3A_42 = arith.muli %scan3A_40, %mul3A_41 : i32
      %swap3A_43 = arith.index_cast %mul3A_42 : i32 to index
      %swap3A_44 = tpu.vector_load %arg7[%swap3A_43] {strides = array<i32>} : memref<10240xf32, #tpu.memory_space<vmem>>, vector<16xf32>,
      tpu.vector_store %arg7[%swap3A_43], %broadcast_in_dim3A_1 {strides = array<i32>} : memref<10240xf32, #tpu.memory_space<vmem>>, vector<16xf32>,
    }
    %scan3A_8 = arith.constant 640 : i32
    %swap3A = arith.constant 0 : index
    %swap3A_9 = tpu.vector_load %arg9[%swap3A] {strides = array<i32>} : memref<128xf32, #tpu.memory_space<vmem>>, vector<16xf32>,
    tpu.vector_store %arg9[%swap3A], %broadcast_in_dim3A_1 {strides = array<i32>} : memref<128xf32, #tpu.memory_space<vmem>>, vector<16xf32>,
    %swap3A_10 = arith.constant 16 : index
    %swap3A_11 = tpu.vector_load %arg9[%swap3A_10] {strides = array<i32>} : memref<128xf32, #tpu.memory_space<vmem>>, vector<16xf32>,
    tpu.vector_store %arg9[%swap3A_10], %broadcast_in_dim3A_1 {strides = array<i32>} : memref<128xf32, #tpu.memory_space<vmem>>, vector<16xf32>,
    %swap3A_12 = arith.constant 32 : index
    %swap3A_13 = tpu.vector_load %arg9[%swap3A_12] {strides = array<i32>} : memref<128xf32, #tpu.memory_space<vmem>>, vector<16xf32>,
    tpu.vector_store %arg9[%swap3A_12], %broadcast_in_dim3A_1 {strides = array<i32>} : memref<128xf32, #tpu.memory_space<vmem>>, vector<16xf32>,
    %swap3A_14 = arith.constant 48 : index
    %swap3A_15 = tpu.vector_load %arg9[%swap3A_14] {strides = array<i32>} : memref<128xf32, #tpu.memory_space<vmem>>, vector<16xf32>,
    tpu.vector_store %arg9[%swap3A_14], %broadcast_in_dim3A_1 {strides = array<i32>} : memref<128xf32, #tpu.memory_space<vmem>>, vector<16xf32>,
    %swap3A_16 = arith.constant 64 : index
    %swap3A_17 = tpu.vector_load %arg9[%swap3A_16] {strides = array<i32>} : memref<128xf32, #tpu.memory_space<vmem>>, vector<16xf32>,
    tpu.vector_store %arg9[%swap3A_16], %broadcast_in_dim3A_1 {strides = array<i32>} : memref<128xf32, #tpu.memory_space<vmem>>, vector<16xf32>,
    %swap3A_18 = arith.constant 80 : index
    %swap3A_19 = tpu.vector_load %arg9[%swap3A_18] {strides = array<i32>} : memref<128xf32, #tpu.memory_space<vmem>>, vector<16xf32>,
    tpu.vector_store %arg9[%swap3A_18], %broadcast_in_dim3A_1 {strides = array<i32>} : memref<128xf32, #tpu.memory_space<vmem>>, vector<16xf32>,
    %swap3A_20 = arith.constant 96 : index
    %swap3A_21 = tpu.vector_load %arg9[%swap3A_20] {strides = array<i32>} : memref<128xf32, #tpu.memory_space<vmem>>, vector<16xf32>,
    tpu.vector_store %arg9[%swap3A_20], %broadcast_in_dim3A_1 {strides = array<i32>} : memref<128xf32, #tpu.memory_space<vmem>>, vector<16xf32>,
    %swap3A_22 = arith.constant 112 : index
    %swap3A_23 = tpu.vector_load %arg9[%swap3A_22] {strides = array<i32>} : memref<128xf32, #tpu.memory_space<vmem>>, vector<16xf32>,
    tpu.vector_store %arg9[%swap3A_22], %broadcast_in_dim3A_1 {strides = array<i32>} : memref<128xf32, #tpu.memory_space<vmem>>, vector<16xf32>,
    %mul3A_24 = arith.constant 10112 : i32
    %mul3A_25 = arith.muli %add3A, %mul3A_24 : i32
    "tpu.region"() ({
      %run_scoped3A = tpu.sem_alloc : memref<!tpu.dma_semaphore, #tpu.memory_space<semaphore_mem>>
      %dma_start3A = tpu.memref_slice %arg2[%mul3A_25] : memref<323584xi32, #tpu.memory_space<hbm>> -> memref<10112xi32, #tpu.memory_space<hbm>>
      %dma_start3A_40 = tpu.memref_slice %arg2[%mul3A_25] : memref<323584xi32, #tpu.memory_space<hbm>> -> memref<10112xi32, #tpu.memory_space<hbm>>
      tpu.enqueue_dma source(%dma_start3A_40 : memref<10112xi32, #tpu.memory_space<hbm>>) target(%arg6 : memref<10112xi32, #tpu.memory_space<vmem>>) target_semaphore(%run_scoped3A : memref<!tpu.dma_semaphore, #tpu.memory_space<semaphore_mem>>)
      %dma_wait3A = tpu.memref_slice %arg2[%mul3A_25] : memref<323584xi32, #tpu.memory_space<hbm>> -> memref<10112xi32, #tpu.memory_space<hbm>>
      %dma_wait3A_41 = tpu.memref_slice %arg2[%mul3A_25] : memref<323584xi32, #tpu.memory_space<hbm>> -> memref<10112xi32, #tpu.memory_space<hbm>>
      tpu.wait_dma2 semaphore(%run_scoped3A : memref<!tpu.dma_semaphore, #tpu.memory_space<semaphore_mem>>) src(%dma_wait3A_41 : memref<10112xi32, #tpu.memory_space<hbm>>) dst(%arg6 : memref<10112xi32, #tpu.memory_space<vmem>>)
      tpu.yield
    }) : () -> ()
    %scan3A_26 = arith.constant 0 : i32
    %scan3A_27 = arith.constant 0 : i32
    %scan3A_28 = arith.constant 632 : i32
    %scan3A_29 = arith.addi %scan3A_27, %scan3A_28 : i32
    %scan3A_30 = arith.constant 1 : i32
    scf.for %scan3A_40 = %scan3A_27 to %scan3A_29 step %scan3A_30  : i32 {
      %mul3A_41 = arith.constant 16 : i32
      %mul3A_42 = arith.muli %scan3A_40, %mul3A_41 : i32
      %get3A = arith.index_cast %mul3A_42 : i32 to index
      %get3A_43 = tpu.vector_load %arg6[%get3A] {strides = array<i32>} : memref<10112xi32, #tpu.memory_space<vmem>>, vector<16xi32>,
      tpu.vector_store_idx %arg7[%get3A_43], %broadcast_in_dim3A_3 {add = true} : memref<10240xf32, #tpu.memory_space<vmem>>[vector<16xi32>], vector<16xf32>,
    }
    %scan3A_31 = arith.constant 632 : i32
    %mul3A_32 = arith.constant 320 : i32
    %mul3A_33 = arith.muli %add3A, %mul3A_32 : i32
    "tpu.region"() ({
      %run_scoped3A = tpu.sem_alloc : memref<!tpu.dma_semaphore, #tpu.memory_space<semaphore_mem>>
      %dma_start3A = tpu.memref_slice %arg3[%mul3A_33] : memref<10240xi32, #tpu.memory_space<hbm>> -> memref<320xi32, #tpu.memory_space<hbm>>
      %dma_start3A_40 = tpu.memref_slice %arg3[%mul3A_33] : memref<10240xi32, #tpu.memory_space<hbm>> -> memref<320xi32, #tpu.memory_space<hbm>>
      tpu.enqueue_dma source(%dma_start3A_40 : memref<320xi32, #tpu.memory_space<hbm>>) target(%arg8 : memref<320xi32, #tpu.memory_space<vmem>>) target_semaphore(%run_scoped3A : memref<!tpu.dma_semaphore, #tpu.memory_space<semaphore_mem>>)
      %dma_wait3A = tpu.memref_slice %arg3[%mul3A_33] : memref<10240xi32, #tpu.memory_space<hbm>> -> memref<320xi32, #tpu.memory_space<hbm>>
      %dma_wait3A_41 = tpu.memref_slice %arg3[%mul3A_33] : memref<10240xi32, #tpu.memory_space<hbm>> -> memref<320xi32, #tpu.memory_space<hbm>>
      tpu.wait_dma2 semaphore(%run_scoped3A : memref<!tpu.dma_semaphore, #tpu.memory_space<semaphore_mem>>) src(%dma_wait3A_41 : memref<320xi32, #tpu.memory_space<hbm>>) dst(%arg8 : memref<320xi32, #tpu.memory_space<vmem>>)
      tpu.yield
    }) : () -> ()
    %scan3A_34 = arith.constant 0 : i32
    %scan3A_35 = arith.constant 0 : i32
    %scan3A_36 = arith.constant 20 : i32
    %scan3A_37 = arith.addi %scan3A_35, %scan3A_36 : i32
    %scan3A_38 = arith.constant 1 : i32
    scf.for %scan3A_40 = %scan3A_35 to %scan3A_37 step %scan3A_38  : i32 {
      %mul3A_41 = arith.constant 16 : i32
      %mul3A_42 = arith.muli %scan3A_40, %mul3A_41 : i32
      %get3A = arith.index_cast %mul3A_42 : i32 to index
      %get3A_43 = tpu.vector_load %arg8[%get3A] {strides = array<i32>} : memref<320xi32, #tpu.memory_space<vmem>>, vector<16xi32>,
      tpu.vector_store_idx %arg9[%get3A_43], %broadcast_in_dim3A_3 {add = true} : memref<128xf32, #tpu.memory_space<vmem>>[vector<16xi32>], vector<16xf32>,
    }
    %scan3A_39 = arith.constant 20 : i32
    "tpu.region"() ({
      %run_scoped3A = tpu.sem_alloc : memref<!tpu.dma_semaphore, #tpu.memory_space<semaphore_mem>>
      %dma_start3A = arith.constant 0 : i32
      %dma_start3A_40 = tpu.memref_slice %arg4[%arg0, %arg1, %dma_start3A] : memref<2x16x10240xf32, #tpu.memory_space<hbm>> -> memref<1x1x10240xf32, #tpu.memory_space<hbm>>
      %dma_start3A_41 = tpu.memref_squeeze %dma_start3A_40 : memref<1x1x10240xf32, #tpu.memory_space<hbm>> -> memref<10240xf32, #tpu.memory_space<hbm>>
      %dma_start3A_42 = arith.constant 0 : i32
      %dma_start3A_43 = tpu.memref_slice %arg4[%arg0, %arg1, %dma_start3A_42] : memref<2x16x10240xf32, #tpu.memory_space<hbm>> -> memref<1x1x10240xf32, #tpu.memory_space<hbm>>
      %dma_start3A_44 = tpu.memref_squeeze %dma_start3A_43 : memref<1x1x10240xf32, #tpu.memory_space<hbm>> -> memref<10240xf32, #tpu.memory_space<hbm>>
      tpu.enqueue_dma source(%arg7 : memref<10240xf32, #tpu.memory_space<vmem>>) target(%dma_start3A_44 : memref<10240xf32, #tpu.memory_space<hbm>>) target_semaphore(%run_scoped3A : memref<!tpu.dma_semaphore, #tpu.memory_space<semaphore_mem>>)
      %dma_wait3A = arith.constant 0 : i32
      %dma_wait3A_45 = tpu.memref_slice %arg4[%arg0, %arg1, %dma_wait3A] : memref<2x16x10240xf32, #tpu.memory_space<hbm>> -> memref<1x1x10240xf32, #tpu.memory_space<hbm>>
      %dma_wait3A_46 = tpu.memref_squeeze %dma_wait3A_45 : memref<1x1x10240xf32, #tpu.memory_space<hbm>> -> memref<10240xf32, #tpu.memory_space<hbm>>
      %dma_wait3A_47 = arith.constant 0 : i32
      %dma_wait3A_48 = tpu.memref_slice %arg4[%arg0, %arg1, %dma_wait3A_47] : memref<2x16x10240xf32, #tpu.memory_space<hbm>> -> memref<1x1x10240xf32, #tpu.memory_space<hbm>>
      %dma_wait3A_49 = tpu.memref_squeeze %dma_wait3A_48 : memref<1x1x10240xf32, #tpu.memory_space<hbm>> -> memref<10240xf32, #tpu.memory_space<hbm>>
      tpu.wait_dma2 semaphore(%run_scoped3A : memref<!tpu.dma_semaphore, #tpu.memory_space<semaphore_mem>>) src(%arg7 : memref<10240xf32, #tpu.memory_space<vmem>>) dst(%dma_wait3A_49 : memref<10240xf32, #tpu.memory_space<hbm>>)
      tpu.yield
    }) : () -> ()
    "tpu.region"() ({
      %run_scoped3A = tpu.sem_alloc : memref<!tpu.dma_semaphore, #tpu.memory_space<semaphore_mem>>
      %dma_start3A = arith.constant 0 : i32
      %dma_start3A_40 = tpu.memref_slice %arg5[%arg0, %arg1, %dma_start3A] : memref<2x16x128xf32, #tpu.memory_space<hbm>> -> memref<1x1x128xf32, #tpu.memory_space<hbm>>
      %dma_start3A_41 = tpu.memref_squeeze %dma_start3A_40 : memref<1x1x128xf32, #tpu.memory_space<hbm>> -> memref<128xf32, #tpu.memory_space<hbm>>
      %dma_start3A_42 = arith.constant 0 : i32
      %dma_start3A_43 = tpu.memref_slice %arg5[%arg0, %arg1, %dma_start3A_42] : memref<2x16x128xf32, #tpu.memory_space<hbm>> -> memref<1x1x128xf32, #tpu.memory_space<hbm>>
      %dma_start3A_44 = tpu.memref_squeeze %dma_start3A_43 : memref<1x1x128xf32, #tpu.memory_space<hbm>> -> memref<128xf32, #tpu.memory_space<hbm>>
      tpu.enqueue_dma source(%arg9 : memref<128xf32, #tpu.memory_space<vmem>>) target(%dma_start3A_44 : memref<128xf32, #tpu.memory_space<hbm>>) target_semaphore(%run_scoped3A : memref<!tpu.dma_semaphore, #tpu.memory_space<semaphore_mem>>)
      %dma_wait3A = arith.constant 0 : i32
      %dma_wait3A_45 = tpu.memref_slice %arg5[%arg0, %arg1, %dma_wait3A] : memref<2x16x128xf32, #tpu.memory_space<hbm>> -> memref<1x1x128xf32, #tpu.memory_space<hbm>>
      %dma_wait3A_46 = tpu.memref_squeeze %dma_wait3A_45 : memref<1x1x128xf32, #tpu.memory_space<hbm>> -> memref<128xf32, #tpu.memory_space<hbm>>
      %dma_wait3A_47 = arith.constant 0 : i32
      %dma_wait3A_48 = tpu.memref_slice %arg5[%arg0, %arg1, %dma_wait3A_47] : memref<2x16x128xf32, #tpu.memory_space<hbm>> -> memref<1x1x128xf32, #tpu.memory_space<hbm>>
      %dma_wait3A_49 = tpu.memref_squeeze %dma_wait3A_48 : memref<1x1x128xf32, #tpu.memory_space<hbm>> -> memref<128xf32, #tpu.memory_space<hbm>>
      tpu.wait_dma2 semaphore(%run_scoped3A : memref<!tpu.dma_semaphore, #tpu.memory_space<semaphore_mem>>) src(%arg9 : memref<128xf32, #tpu.memory_space<vmem>>) dst(%dma_wait3A_49 : memref<128xf32, #tpu.memory_space<hbm>>)
      tpu.yield
    }) : () -> ()
    return
  }
}

#map = affine_map<(d0, d1) -> (0, 0)>
#map1 = affine_map<(d0, d1) -> (0)>
#map2 = affine_map<(d0, d1) -> (0, 0, 0, 0, 0)>
module attributes {stable_mosaic.version = 14 : i64} {
  func.func @_agg_body(%arg0: i32, %arg1: i32, %arg2: memref<10240x128xf32, #tpu.memory_space<hbm>>, %arg3: memref<323584xi32, #tpu.memory_space<hbm>>, %arg4: memref<323584xi32, #tpu.memory_space<hbm>>, %arg5: memref<2x16x5x128x128xf32, #tpu.memory_space<hbm>>, %arg6: memref<128xi32, #tpu.memory_space<vmem>>, %arg7: memref<128xi32, #tpu.memory_space<vmem>>, %arg8: memref<128x128xf32, #tpu.memory_space<vmem>>, %arg9: memref<10240x128xf32, #tpu.memory_space<vmem_shared>>, %arg10: memref<!tpu.dma_semaphore, #tpu.memory_space<semaphore_mem>>) attributes {dimension_semantics = [#tpu.dimension_semantics<core_parallel>, #tpu.dimension_semantics<subcore_parallel>], iteration_bounds = array<i64: 2, 16>, scalar_prefetch = 0 : i64, scratch_operands = 5 : i64, tpu.core_type = #tpu.core_type<sc_vector_subcore>, window_params = [{transform_indices = #map}, {transform_indices = #map1}, {transform_indices = #map1}, {transform_indices = #map2}]} {
    %mul3A = arith.constant 16 : i32
    %mul3A_0 = arith.muli %arg0, %mul3A : i32
    %add3A = arith.addi %mul3A_0, %arg1 : i32
    %broadcast_in_dim3A = arith.constant 0.000000e+00 : f32
    %broadcast_in_dim3A_1 = vector.broadcast %broadcast_in_dim3A : f32 to vector<16xf32>
    %scan3A = arith.constant 0 : i32
    %scan3A_2 = arith.constant 0 : i32
    %scan3A_3 = arith.constant 128 : i32
    %scan3A_4 = arith.addi %scan3A_2, %scan3A_3 : i32
    %scan3A_5 = arith.constant 1 : i32
    scf.for %scan3A_58 = %scan3A_2 to %scan3A_4 step %scan3A_5  : i32 {
      %scan3A_59 = arith.constant 0 : i32
      %scan3A_60 = arith.constant 8 : i32
      %scan3A_61 = arith.addi %scan3A_59, %scan3A_60 : i32
      %scan3A_62 = arith.constant 1 : i32
      scf.for %scan3A_64 = %scan3A_59 to %scan3A_61 step %scan3A_62  : i32 {
        %mul3A_65 = arith.constant 16 : i32
        %mul3A_66 = arith.muli %scan3A_64, %mul3A_65 : i32
        %swap3A = arith.index_cast %scan3A_58 : i32 to index
        %swap3A_67 = arith.index_cast %mul3A_66 : i32 to index
        %swap3A_68 = tpu.vector_load %arg8[%swap3A, %swap3A_67] {strides = array<i32>} : memref<128x128xf32, #tpu.memory_space<vmem>>, vector<1x16xf32>,
        %swap3A_69 = vector.shape_cast %swap3A_68 : vector<1x16xf32> to vector<16xf32>
        %swap3A_70 = vector.shape_cast %broadcast_in_dim3A_1 : vector<16xf32> to vector<1x16xf32>
        tpu.vector_store %arg8[%swap3A, %swap3A_67], %swap3A_70 {strides = array<i32>} : memref<128x128xf32, #tpu.memory_space<vmem>>, vector<1x16xf32>,
      }
      %scan3A_63 = arith.constant 8 : i32
    }
    %scan3A_6 = arith.constant 128 : i32
    %mul3A_7 = arith.constant 640 : i32
    %mul3A_8 = arith.muli %arg1, %mul3A_7 : i32
    %add3A_9 = arith.constant 0 : i32
    %add3A_10 = arith.addi %mul3A_8, %add3A_9 : i32
    "tpu.region"() ({
      %run_scoped3A_58 = tpu.sem_alloc : memref<!tpu.dma_semaphore, #tpu.memory_space<semaphore_mem>>
      %dma_start3A = arith.constant 0 : i32
      %dma_start3A_59 = tpu.memref_slice %arg9[%add3A_10, %dma_start3A] : memref<10240x128xf32, #tpu.memory_space<vmem_shared>> -> memref<128x128xf32, #tpu.memory_space<vmem_shared>>
      %dma_start3A_60 = arith.constant 0 : i32
      %dma_start3A_61 = tpu.memref_slice %arg9[%add3A_10, %dma_start3A_60] : memref<10240x128xf32, #tpu.memory_space<vmem_shared>> -> memref<128x128xf32, #tpu.memory_space<vmem_shared>>
      tpu.enqueue_dma source(%arg8 : memref<128x128xf32, #tpu.memory_space<vmem>>) target(%dma_start3A_61 : memref<128x128xf32, #tpu.memory_space<vmem_shared>>) target_semaphore(%run_scoped3A_58 : memref<!tpu.dma_semaphore, #tpu.memory_space<semaphore_mem>>)
      %dma_wait3A = arith.constant 0 : i32
      %dma_wait3A_62 = tpu.memref_slice %arg9[%add3A_10, %dma_wait3A] : memref<10240x128xf32, #tpu.memory_space<vmem_shared>> -> memref<128x128xf32, #tpu.memory_space<vmem_shared>>
      %dma_wait3A_63 = arith.constant 0 : i32
      %dma_wait3A_64 = tpu.memref_slice %arg9[%add3A_10, %dma_wait3A_63] : memref<10240x128xf32, #tpu.memory_space<vmem_shared>> -> memref<128x128xf32, #tpu.memory_space<vmem_shared>>
      tpu.wait_dma2 semaphore(%run_scoped3A_58 : memref<!tpu.dma_semaphore, #tpu.memory_space<semaphore_mem>>) src(%arg8 : memref<128x128xf32, #tpu.memory_space<vmem>>) dst(%dma_wait3A_64 : memref<128x128xf32, #tpu.memory_space<vmem_shared>>)
      tpu.yield
    }) : () -> ()
    %mul3A_11 = arith.constant 640 : i32
    %mul3A_12 = arith.muli %arg1, %mul3A_11 : i32
    %add3A_13 = arith.constant 128 : i32
    %add3A_14 = arith.addi %mul3A_12, %add3A_13 : i32
    "tpu.region"() ({
      %run_scoped3A_58 = tpu.sem_alloc : memref<!tpu.dma_semaphore, #tpu.memory_space<semaphore_mem>>
      %dma_start3A = arith.constant 0 : i32
      %dma_start3A_59 = tpu.memref_slice %arg9[%add3A_14, %dma_start3A] : memref<10240x128xf32, #tpu.memory_space<vmem_shared>> -> memref<128x128xf32, #tpu.memory_space<vmem_shared>>
      %dma_start3A_60 = arith.constant 0 : i32
      %dma_start3A_61 = tpu.memref_slice %arg9[%add3A_14, %dma_start3A_60] : memref<10240x128xf32, #tpu.memory_space<vmem_shared>> -> memref<128x128xf32, #tpu.memory_space<vmem_shared>>
      tpu.enqueue_dma source(%arg8 : memref<128x128xf32, #tpu.memory_space<vmem>>) target(%dma_start3A_61 : memref<128x128xf32, #tpu.memory_space<vmem_shared>>) target_semaphore(%run_scoped3A_58 : memref<!tpu.dma_semaphore, #tpu.memory_space<semaphore_mem>>)
      %dma_wait3A = arith.constant 0 : i32
      %dma_wait3A_62 = tpu.memref_slice %arg9[%add3A_14, %dma_wait3A] : memref<10240x128xf32, #tpu.memory_space<vmem_shared>> -> memref<128x128xf32, #tpu.memory_space<vmem_shared>>
      %dma_wait3A_63 = arith.constant 0 : i32
      %dma_wait3A_64 = tpu.memref_slice %arg9[%add3A_14, %dma_wait3A_63] : memref<10240x128xf32, #tpu.memory_space<vmem_shared>> -> memref<128x128xf32, #tpu.memory_space<vmem_shared>>
      tpu.wait_dma2 semaphore(%run_scoped3A_58 : memref<!tpu.dma_semaphore, #tpu.memory_space<semaphore_mem>>) src(%arg8 : memref<128x128xf32, #tpu.memory_space<vmem>>) dst(%dma_wait3A_64 : memref<128x128xf32, #tpu.memory_space<vmem_shared>>)
      tpu.yield
    }) : () -> ()
    %mul3A_15 = arith.constant 640 : i32
    %mul3A_16 = arith.muli %arg1, %mul3A_15 : i32
    %add3A_17 = arith.constant 256 : i32
    %add3A_18 = arith.addi %mul3A_16, %add3A_17 : i32
    "tpu.region"() ({
      %run_scoped3A_58 = tpu.sem_alloc : memref<!tpu.dma_semaphore, #tpu.memory_space<semaphore_mem>>
      %dma_start3A = arith.constant 0 : i32
      %dma_start3A_59 = tpu.memref_slice %arg9[%add3A_18, %dma_start3A] : memref<10240x128xf32, #tpu.memory_space<vmem_shared>> -> memref<128x128xf32, #tpu.memory_space<vmem_shared>>
      %dma_start3A_60 = arith.constant 0 : i32
      %dma_start3A_61 = tpu.memref_slice %arg9[%add3A_18, %dma_start3A_60] : memref<10240x128xf32, #tpu.memory_space<vmem_shared>> -> memref<128x128xf32, #tpu.memory_space<vmem_shared>>
      tpu.enqueue_dma source(%arg8 : memref<128x128xf32, #tpu.memory_space<vmem>>) target(%dma_start3A_61 : memref<128x128xf32, #tpu.memory_space<vmem_shared>>) target_semaphore(%run_scoped3A_58 : memref<!tpu.dma_semaphore, #tpu.memory_space<semaphore_mem>>)
      %dma_wait3A = arith.constant 0 : i32
      %dma_wait3A_62 = tpu.memref_slice %arg9[%add3A_18, %dma_wait3A] : memref<10240x128xf32, #tpu.memory_space<vmem_shared>> -> memref<128x128xf32, #tpu.memory_space<vmem_shared>>
      %dma_wait3A_63 = arith.constant 0 : i32
      %dma_wait3A_64 = tpu.memref_slice %arg9[%add3A_18, %dma_wait3A_63] : memref<10240x128xf32, #tpu.memory_space<vmem_shared>> -> memref<128x128xf32, #tpu.memory_space<vmem_shared>>
      tpu.wait_dma2 semaphore(%run_scoped3A_58 : memref<!tpu.dma_semaphore, #tpu.memory_space<semaphore_mem>>) src(%arg8 : memref<128x128xf32, #tpu.memory_space<vmem>>) dst(%dma_wait3A_64 : memref<128x128xf32, #tpu.memory_space<vmem_shared>>)
      tpu.yield
    }) : () -> ()
    %mul3A_19 = arith.constant 640 : i32
    %mul3A_20 = arith.muli %arg1, %mul3A_19 : i32
    %add3A_21 = arith.constant 384 : i32
    %add3A_22 = arith.addi %mul3A_20, %add3A_21 : i32
    "tpu.region"() ({
      %run_scoped3A_58 = tpu.sem_alloc : memref<!tpu.dma_semaphore, #tpu.memory_space<semaphore_mem>>
      %dma_start3A = arith.constant 0 : i32
      %dma_start3A_59 = tpu.memref_slice %arg9[%add3A_22, %dma_start3A] : memref<10240x128xf32, #tpu.memory_space<vmem_shared>> -> memref<128x128xf32, #tpu.memory_space<vmem_shared>>
      %dma_start3A_60 = arith.constant 0 : i32
      %dma_start3A_61 = tpu.memref_slice %arg9[%add3A_22, %dma_start3A_60] : memref<10240x128xf32, #tpu.memory_space<vmem_shared>> -> memref<128x128xf32, #tpu.memory_space<vmem_shared>>
      tpu.enqueue_dma source(%arg8 : memref<128x128xf32, #tpu.memory_space<vmem>>) target(%dma_start3A_61 : memref<128x128xf32, #tpu.memory_space<vmem_shared>>) target_semaphore(%run_scoped3A_58 : memref<!tpu.dma_semaphore, #tpu.memory_space<semaphore_mem>>)
      %dma_wait3A = arith.constant 0 : i32
      %dma_wait3A_62 = tpu.memref_slice %arg9[%add3A_22, %dma_wait3A] : memref<10240x128xf32, #tpu.memory_space<vmem_shared>> -> memref<128x128xf32, #tpu.memory_space<vmem_shared>>
      %dma_wait3A_63 = arith.constant 0 : i32
      %dma_wait3A_64 = tpu.memref_slice %arg9[%add3A_22, %dma_wait3A_63] : memref<10240x128xf32, #tpu.memory_space<vmem_shared>> -> memref<128x128xf32, #tpu.memory_space<vmem_shared>>
      tpu.wait_dma2 semaphore(%run_scoped3A_58 : memref<!tpu.dma_semaphore, #tpu.memory_space<semaphore_mem>>) src(%arg8 : memref<128x128xf32, #tpu.memory_space<vmem>>) dst(%dma_wait3A_64 : memref<128x128xf32, #tpu.memory_space<vmem_shared>>)
      tpu.yield
    }) : () -> ()
    %mul3A_23 = arith.constant 640 : i32
    %mul3A_24 = arith.muli %arg1, %mul3A_23 : i32
    %add3A_25 = arith.constant 512 : i32
    %add3A_26 = arith.addi %mul3A_24, %add3A_25 : i32
    "tpu.region"() ({
      %run_scoped3A_58 = tpu.sem_alloc : memref<!tpu.dma_semaphore, #tpu.memory_space<semaphore_mem>>
      %dma_start3A = arith.constant 0 : i32
      %dma_start3A_59 = tpu.memref_slice %arg9[%add3A_26, %dma_start3A] : memref<10240x128xf32, #tpu.memory_space<vmem_shared>> -> memref<128x128xf32, #tpu.memory_space<vmem_shared>>
      %dma_start3A_60 = arith.constant 0 : i32
      %dma_start3A_61 = tpu.memref_slice %arg9[%add3A_26, %dma_start3A_60] : memref<10240x128xf32, #tpu.memory_space<vmem_shared>> -> memref<128x128xf32, #tpu.memory_space<vmem_shared>>
      tpu.enqueue_dma source(%arg8 : memref<128x128xf32, #tpu.memory_space<vmem>>) target(%dma_start3A_61 : memref<128x128xf32, #tpu.memory_space<vmem_shared>>) target_semaphore(%run_scoped3A_58 : memref<!tpu.dma_semaphore, #tpu.memory_space<semaphore_mem>>)
      %dma_wait3A = arith.constant 0 : i32
      %dma_wait3A_62 = tpu.memref_slice %arg9[%add3A_26, %dma_wait3A] : memref<10240x128xf32, #tpu.memory_space<vmem_shared>> -> memref<128x128xf32, #tpu.memory_space<vmem_shared>>
      %dma_wait3A_63 = arith.constant 0 : i32
      %dma_wait3A_64 = tpu.memref_slice %arg9[%add3A_26, %dma_wait3A_63] : memref<10240x128xf32, #tpu.memory_space<vmem_shared>> -> memref<128x128xf32, #tpu.memory_space<vmem_shared>>
      tpu.wait_dma2 semaphore(%run_scoped3A_58 : memref<!tpu.dma_semaphore, #tpu.memory_space<semaphore_mem>>) src(%arg8 : memref<128x128xf32, #tpu.memory_space<vmem>>) dst(%dma_wait3A_64 : memref<128x128xf32, #tpu.memory_space<vmem_shared>>)
      tpu.yield
    }) : () -> ()
    %barrier3A = arith.constant 0 : index
    tpu.barrier barrier_id(%barrier3A)
    %scan3A_27 = arith.constant 0 : i32
    %scan3A_28 = arith.constant 0 : i32
    %scan3A_29 = arith.constant 79 : i32
    %scan3A_30 = arith.addi %scan3A_28, %scan3A_29 : i32
    %scan3A_31 = arith.constant 1 : i32
    scf.for %scan3A_58 = %scan3A_28 to %scan3A_30 step %scan3A_31  : i32 {
      %mul3A_59 = arith.constant 10112 : i32
      %mul3A_60 = arith.muli %add3A, %mul3A_59 : i32
      %mul3A_61 = arith.constant 128 : i32
      %mul3A_62 = arith.muli %scan3A_58, %mul3A_61 : i32
      %add3A_63 = arith.addi %mul3A_60, %mul3A_62 : i32
      "tpu.region"() ({
        %run_scoped3A_68 = tpu.sem_alloc : memref<!tpu.dma_semaphore, #tpu.memory_space<semaphore_mem>>
        %dma_start3A_69 = tpu.memref_slice %arg3[%add3A_63] : memref<323584xi32, #tpu.memory_space<hbm>> -> memref<128xi32, #tpu.memory_space<hbm>>
        %dma_start3A_70 = tpu.memref_slice %arg3[%add3A_63] : memref<323584xi32, #tpu.memory_space<hbm>> -> memref<128xi32, #tpu.memory_space<hbm>>
        tpu.enqueue_dma source(%dma_start3A_70 : memref<128xi32, #tpu.memory_space<hbm>>) target(%arg6 : memref<128xi32, #tpu.memory_space<vmem>>) target_semaphore(%run_scoped3A_68 : memref<!tpu.dma_semaphore, #tpu.memory_space<semaphore_mem>>)
        %dma_wait3A_71 = tpu.memref_slice %arg3[%add3A_63] : memref<323584xi32, #tpu.memory_space<hbm>> -> memref<128xi32, #tpu.memory_space<hbm>>
        %dma_wait3A_72 = tpu.memref_slice %arg3[%add3A_63] : memref<323584xi32, #tpu.memory_space<hbm>> -> memref<128xi32, #tpu.memory_space<hbm>>
        tpu.wait_dma2 semaphore(%run_scoped3A_68 : memref<!tpu.dma_semaphore, #tpu.memory_space<semaphore_mem>>) src(%dma_wait3A_72 : memref<128xi32, #tpu.memory_space<hbm>>) dst(%arg6 : memref<128xi32, #tpu.memory_space<vmem>>)
        tpu.yield
      }) : () -> ()
      "tpu.region"() ({
        %run_scoped3A_68 = tpu.sem_alloc : memref<!tpu.dma_semaphore, #tpu.memory_space<semaphore_mem>>
        %dma_start3A_69 = tpu.memref_slice %arg4[%add3A_63] : memref<323584xi32, #tpu.memory_space<hbm>> -> memref<128xi32, #tpu.memory_space<hbm>>
        %dma_start3A_70 = tpu.memref_slice %arg4[%add3A_63] : memref<323584xi32, #tpu.memory_space<hbm>> -> memref<128xi32, #tpu.memory_space<hbm>>
        tpu.enqueue_dma source(%dma_start3A_70 : memref<128xi32, #tpu.memory_space<hbm>>) target(%arg7 : memref<128xi32, #tpu.memory_space<vmem>>) target_semaphore(%run_scoped3A_68 : memref<!tpu.dma_semaphore, #tpu.memory_space<semaphore_mem>>)
        %dma_wait3A_71 = tpu.memref_slice %arg4[%add3A_63] : memref<323584xi32, #tpu.memory_space<hbm>> -> memref<128xi32, #tpu.memory_space<hbm>>
        %dma_wait3A_72 = tpu.memref_slice %arg4[%add3A_63] : memref<323584xi32, #tpu.memory_space<hbm>> -> memref<128xi32, #tpu.memory_space<hbm>>
        tpu.wait_dma2 semaphore(%run_scoped3A_68 : memref<!tpu.dma_semaphore, #tpu.memory_space<semaphore_mem>>) src(%dma_wait3A_72 : memref<128xi32, #tpu.memory_space<hbm>>) dst(%arg7 : memref<128xi32, #tpu.memory_space<vmem>>)
        tpu.yield
      }) : () -> ()
      %dma_start3A = arith.constant 0 : i32
      %dma_start3A_64 = arith.constant 0 : i32
      %dma_start3A_65 = tpu.memref_slice %arg2[%dma_start3A, %dma_start3A_64] : memref<10240x128xf32, #tpu.memory_space<hbm>> -> memref<10240x128xf32, #tpu.memory_space<hbm>>
      tpu.enqueue_indirect_dma source(%dma_start3A_65 : memref<10240x128xf32, #tpu.memory_space<hbm>>) target(%arg8 : memref<128x128xf32, #tpu.memory_space<vmem>>) offsets(%arg6 : memref<128xi32, #tpu.memory_space<vmem>>) semaphore(%arg10 : memref<!tpu.dma_semaphore, #tpu.memory_space<semaphore_mem>>)
      %dma_wait3A = arith.constant 0 : i32
      %dma_wait3A_66 = arith.constant 0 : i32
      %dma_wait3A_67 = tpu.memref_slice %arg2[%dma_wait3A, %dma_wait3A_66] : memref<10240x128xf32, #tpu.memory_space<hbm>> -> memref<10240x128xf32, #tpu.memory_space<hbm>>
      tpu.wait_indirect_dma semaphore(%arg10 : memref<!tpu.dma_semaphore, #tpu.memory_space<semaphore_mem>>) src(%dma_wait3A_67 : memref<10240x128xf32, #tpu.memory_space<hbm>>) dst(%arg8 : memref<128x128xf32, #tpu.memory_space<vmem>>)
      "tpu.region"() ({
        %run_scoped3A_68 = tpu.sem_alloc : memref<!tpu.dma_semaphore, #tpu.memory_space<semaphore_mem>>
        %dma_start3A_69 = arith.constant 0 : i32
        %dma_start3A_70 = arith.constant 0 : i32
        %dma_start3A_71 = tpu.memref_slice %arg9[%dma_start3A_69, %dma_start3A_70] : memref<10240x128xf32, #tpu.memory_space<vmem_shared>> -> memref<10240x128xf32, #tpu.memory_space<vmem_shared>>
        tpu.enqueue_indirect_dma source(%arg8 : memref<128x128xf32, #tpu.memory_space<vmem>>) target(%dma_start3A_71 : memref<10240x128xf32, #tpu.memory_space<vmem_shared>>) offsets(%arg7 : memref<128xi32, #tpu.memory_space<vmem>>) semaphore(%run_scoped3A_68 : memref<!tpu.dma_semaphore, #tpu.memory_space<semaphore_mem>>) {add = true}
        %dma_wait3A_72 = arith.constant 0 : i32
        %dma_wait3A_73 = arith.constant 0 : i32
        %dma_wait3A_74 = tpu.memref_slice %arg9[%dma_wait3A_72, %dma_wait3A_73] : memref<10240x128xf32, #tpu.memory_space<vmem_shared>> -> memref<10240x128xf32, #tpu.memory_space<vmem_shared>>
        tpu.wait_indirect_dma semaphore(%run_scoped3A_68 : memref<!tpu.dma_semaphore, #tpu.memory_space<semaphore_mem>>) src(%arg8 : memref<128x128xf32, #tpu.memory_space<vmem>>) dst(%dma_wait3A_74 : memref<10240x128xf32, #tpu.memory_space<vmem_shared>>)
        tpu.yield
      }) : () -> ()
    }
    %scan3A_32 = arith.constant 79 : i32
    %barrier3A_33 = arith.constant 0 : index
    tpu.barrier barrier_id(%barrier3A_33)
    %mul3A_34 = arith.constant 640 : i32
    %mul3A_35 = arith.muli %arg1, %mul3A_34 : i32
    %add3A_36 = arith.constant 0 : i32
    %add3A_37 = arith.addi %mul3A_35, %add3A_36 : i32
    %run_scoped3A = arith.constant 0 : i32
    "tpu.region"() ({
      %run_scoped3A_58 = tpu.sem_alloc : memref<!tpu.dma_semaphore, #tpu.memory_space<semaphore_mem>>
      %dma_start3A = arith.constant 0 : i32
      %dma_start3A_59 = arith.constant 0 : i32
      %dma_start3A_60 = tpu.memref_slice %arg5[%arg0, %arg1, %run_scoped3A, %dma_start3A, %dma_start3A_59] : memref<2x16x5x128x128xf32, #tpu.memory_space<hbm>> -> memref<1x1x1x128x128xf32, #tpu.memory_space<hbm>>
      %dma_start3A_61 = tpu.memref_squeeze %dma_start3A_60 : memref<1x1x1x128x128xf32, #tpu.memory_space<hbm>> -> memref<128x128xf32, #tpu.memory_space<hbm>>
      %dma_start3A_62 = arith.constant 0 : i32
      %dma_start3A_63 = tpu.memref_slice %arg9[%add3A_37, %dma_start3A_62] : memref<10240x128xf32, #tpu.memory_space<vmem_shared>> -> memref<128x128xf32, #tpu.memory_space<vmem_shared>>
      tpu.enqueue_dma source(%dma_start3A_63 : memref<128x128xf32, #tpu.memory_space<vmem_shared>>) target(%dma_start3A_61 : memref<128x128xf32, #tpu.memory_space<hbm>>) target_semaphore(%run_scoped3A_58 : memref<!tpu.dma_semaphore, #tpu.memory_space<semaphore_mem>>)
      %dma_wait3A = arith.constant 0 : i32
      %dma_wait3A_64 = arith.constant 0 : i32
      %dma_wait3A_65 = tpu.memref_slice %arg5[%arg0, %arg1, %run_scoped3A, %dma_wait3A, %dma_wait3A_64] : memref<2x16x5x128x128xf32, #tpu.memory_space<hbm>> -> memref<1x1x1x128x128xf32, #tpu.memory_space<hbm>>
      %dma_wait3A_66 = tpu.memref_squeeze %dma_wait3A_65 : memref<1x1x1x128x128xf32, #tpu.memory_space<hbm>> -> memref<128x128xf32, #tpu.memory_space<hbm>>
      %dma_wait3A_67 = arith.constant 0 : i32
      %dma_wait3A_68 = tpu.memref_slice %arg9[%add3A_37, %dma_wait3A_67] : memref<10240x128xf32, #tpu.memory_space<vmem_shared>> -> memref<128x128xf32, #tpu.memory_space<vmem_shared>>
      tpu.wait_dma2 semaphore(%run_scoped3A_58 : memref<!tpu.dma_semaphore, #tpu.memory_space<semaphore_mem>>) src(%dma_wait3A_68 : memref<128x128xf32, #tpu.memory_space<vmem_shared>>) dst(%dma_wait3A_66 : memref<128x128xf32, #tpu.memory_space<hbm>>)
      tpu.yield
    }) : () -> ()
    %mul3A_38 = arith.constant 640 : i32
    %mul3A_39 = arith.muli %arg1, %mul3A_38 : i32
    %add3A_40 = arith.constant 128 : i32
    %add3A_41 = arith.addi %mul3A_39, %add3A_40 : i32
    %run_scoped3A_42 = arith.constant 1 : i32
    "tpu.region"() ({
      %run_scoped3A_58 = tpu.sem_alloc : memref<!tpu.dma_semaphore, #tpu.memory_space<semaphore_mem>>
      %dma_start3A = arith.constant 0 : i32
      %dma_start3A_59 = arith.constant 0 : i32
      %dma_start3A_60 = tpu.memref_slice %arg5[%arg0, %arg1, %run_scoped3A_42, %dma_start3A, %dma_start3A_59] : memref<2x16x5x128x128xf32, #tpu.memory_space<hbm>> -> memref<1x1x1x128x128xf32, #tpu.memory_space<hbm>>
      %dma_start3A_61 = tpu.memref_squeeze %dma_start3A_60 : memref<1x1x1x128x128xf32, #tpu.memory_space<hbm>> -> memref<128x128xf32, #tpu.memory_space<hbm>>
      %dma_start3A_62 = arith.constant 0 : i32
      %dma_start3A_63 = tpu.memref_slice %arg9[%add3A_41, %dma_start3A_62] : memref<10240x128xf32, #tpu.memory_space<vmem_shared>> -> memref<128x128xf32, #tpu.memory_space<vmem_shared>>
      tpu.enqueue_dma source(%dma_start3A_63 : memref<128x128xf32, #tpu.memory_space<vmem_shared>>) target(%dma_start3A_61 : memref<128x128xf32, #tpu.memory_space<hbm>>) target_semaphore(%run_scoped3A_58 : memref<!tpu.dma_semaphore, #tpu.memory_space<semaphore_mem>>)
      %dma_wait3A = arith.constant 0 : i32
      %dma_wait3A_64 = arith.constant 0 : i32
      %dma_wait3A_65 = tpu.memref_slice %arg5[%arg0, %arg1, %run_scoped3A_42, %dma_wait3A, %dma_wait3A_64] : memref<2x16x5x128x128xf32, #tpu.memory_space<hbm>> -> memref<1x1x1x128x128xf32, #tpu.memory_space<hbm>>
      %dma_wait3A_66 = tpu.memref_squeeze %dma_wait3A_65 : memref<1x1x1x128x128xf32, #tpu.memory_space<hbm>> -> memref<128x128xf32, #tpu.memory_space<hbm>>
      %dma_wait3A_67 = arith.constant 0 : i32
      %dma_wait3A_68 = tpu.memref_slice %arg9[%add3A_41, %dma_wait3A_67] : memref<10240x128xf32, #tpu.memory_space<vmem_shared>> -> memref<128x128xf32, #tpu.memory_space<vmem_shared>>
      tpu.wait_dma2 semaphore(%run_scoped3A_58 : memref<!tpu.dma_semaphore, #tpu.memory_space<semaphore_mem>>) src(%dma_wait3A_68 : memref<128x128xf32, #tpu.memory_space<vmem_shared>>) dst(%dma_wait3A_66 : memref<128x128xf32, #tpu.memory_space<hbm>>)
      tpu.yield
    }) : () -> ()
    %mul3A_43 = arith.constant 640 : i32
    %mul3A_44 = arith.muli %arg1, %mul3A_43 : i32
    %add3A_45 = arith.constant 256 : i32
    %add3A_46 = arith.addi %mul3A_44, %add3A_45 : i32
    %run_scoped3A_47 = arith.constant 2 : i32
    "tpu.region"() ({
      %run_scoped3A_58 = tpu.sem_alloc : memref<!tpu.dma_semaphore, #tpu.memory_space<semaphore_mem>>
      %dma_start3A = arith.constant 0 : i32
      %dma_start3A_59 = arith.constant 0 : i32
      %dma_start3A_60 = tpu.memref_slice %arg5[%arg0, %arg1, %run_scoped3A_47, %dma_start3A, %dma_start3A_59] : memref<2x16x5x128x128xf32, #tpu.memory_space<hbm>> -> memref<1x1x1x128x128xf32, #tpu.memory_space<hbm>>
      %dma_start3A_61 = tpu.memref_squeeze %dma_start3A_60 : memref<1x1x1x128x128xf32, #tpu.memory_space<hbm>> -> memref<128x128xf32, #tpu.memory_space<hbm>>
      %dma_start3A_62 = arith.constant 0 : i32
      %dma_start3A_63 = tpu.memref_slice %arg9[%add3A_46, %dma_start3A_62] : memref<10240x128xf32, #tpu.memory_space<vmem_shared>> -> memref<128x128xf32, #tpu.memory_space<vmem_shared>>
      tpu.enqueue_dma source(%dma_start3A_63 : memref<128x128xf32, #tpu.memory_space<vmem_shared>>) target(%dma_start3A_61 : memref<128x128xf32, #tpu.memory_space<hbm>>) target_semaphore(%run_scoped3A_58 : memref<!tpu.dma_semaphore, #tpu.memory_space<semaphore_mem>>)
      %dma_wait3A = arith.constant 0 : i32
      %dma_wait3A_64 = arith.constant 0 : i32
      %dma_wait3A_65 = tpu.memref_slice %arg5[%arg0, %arg1, %run_scoped3A_47, %dma_wait3A, %dma_wait3A_64] : memref<2x16x5x128x128xf32, #tpu.memory_space<hbm>> -> memref<1x1x1x128x128xf32, #tpu.memory_space<hbm>>
      %dma_wait3A_66 = tpu.memref_squeeze %dma_wait3A_65 : memref<1x1x1x128x128xf32, #tpu.memory_space<hbm>> -> memref<128x128xf32, #tpu.memory_space<hbm>>
      %dma_wait3A_67 = arith.constant 0 : i32
      %dma_wait3A_68 = tpu.memref_slice %arg9[%add3A_46, %dma_wait3A_67] : memref<10240x128xf32, #tpu.memory_space<vmem_shared>> -> memref<128x128xf32, #tpu.memory_space<vmem_shared>>
      tpu.wait_dma2 semaphore(%run_scoped3A_58 : memref<!tpu.dma_semaphore, #tpu.memory_space<semaphore_mem>>) src(%dma_wait3A_68 : memref<128x128xf32, #tpu.memory_space<vmem_shared>>) dst(%dma_wait3A_66 : memref<128x128xf32, #tpu.memory_space<hbm>>)
      tpu.yield
    }) : () -> ()
    %mul3A_48 = arith.constant 640 : i32
    %mul3A_49 = arith.muli %arg1, %mul3A_48 : i32
    %add3A_50 = arith.constant 384 : i32
    %add3A_51 = arith.addi %mul3A_49, %add3A_50 : i32
    %run_scoped3A_52 = arith.constant 3 : i32
    "tpu.region"() ({
      %run_scoped3A_58 = tpu.sem_alloc : memref<!tpu.dma_semaphore, #tpu.memory_space<semaphore_mem>>
      %dma_start3A = arith.constant 0 : i32
      %dma_start3A_59 = arith.constant 0 : i32
      %dma_start3A_60 = tpu.memref_slice %arg5[%arg0, %arg1, %run_scoped3A_52, %dma_start3A, %dma_start3A_59] : memref<2x16x5x128x128xf32, #tpu.memory_space<hbm>> -> memref<1x1x1x128x128xf32, #tpu.memory_space<hbm>>
      %dma_start3A_61 = tpu.memref_squeeze %dma_start3A_60 : memref<1x1x1x128x128xf32, #tpu.memory_space<hbm>> -> memref<128x128xf32, #tpu.memory_space<hbm>>
      %dma_start3A_62 = arith.constant 0 : i32
      %dma_start3A_63 = tpu.memref_slice %arg9[%add3A_51, %dma_start3A_62] : memref<10240x128xf32, #tpu.memory_space<vmem_shared>> -> memref<128x128xf32, #tpu.memory_space<vmem_shared>>
      tpu.enqueue_dma source(%dma_start3A_63 : memref<128x128xf32, #tpu.memory_space<vmem_shared>>) target(%dma_start3A_61 : memref<128x128xf32, #tpu.memory_space<hbm>>) target_semaphore(%run_scoped3A_58 : memref<!tpu.dma_semaphore, #tpu.memory_space<semaphore_mem>>)
      %dma_wait3A = arith.constant 0 : i32
      %dma_wait3A_64 = arith.constant 0 : i32
      %dma_wait3A_65 = tpu.memref_slice %arg5[%arg0, %arg1, %run_scoped3A_52, %dma_wait3A, %dma_wait3A_64] : memref<2x16x5x128x128xf32, #tpu.memory_space<hbm>> -> memref<1x1x1x128x128xf32, #tpu.memory_space<hbm>>
      %dma_wait3A_66 = tpu.memref_squeeze %dma_wait3A_65 : memref<1x1x1x128x128xf32, #tpu.memory_space<hbm>> -> memref<128x128xf32, #tpu.memory_space<hbm>>
      %dma_wait3A_67 = arith.constant 0 : i32
      %dma_wait3A_68 = tpu.memref_slice %arg9[%add3A_51, %dma_wait3A_67] : memref<10240x128xf32, #tpu.memory_space<vmem_shared>> -> memref<128x128xf32, #tpu.memory_space<vmem_shared>>
      tpu.wait_dma2 semaphore(%run_scoped3A_58 : memref<!tpu.dma_semaphore, #tpu.memory_space<semaphore_mem>>) src(%dma_wait3A_68 : memref<128x128xf32, #tpu.memory_space<vmem_shared>>) dst(%dma_wait3A_66 : memref<128x128xf32, #tpu.memory_space<hbm>>)
      tpu.yield
    }) : () -> ()
    %mul3A_53 = arith.constant 640 : i32
    %mul3A_54 = arith.muli %arg1, %mul3A_53 : i32
    %add3A_55 = arith.constant 512 : i32
    %add3A_56 = arith.addi %mul3A_54, %add3A_55 : i32
    %run_scoped3A_57 = arith.constant 4 : i32
    "tpu.region"() ({
      %run_scoped3A_58 = tpu.sem_alloc : memref<!tpu.dma_semaphore, #tpu.memory_space<semaphore_mem>>
      %dma_start3A = arith.constant 0 : i32
      %dma_start3A_59 = arith.constant 0 : i32
      %dma_start3A_60 = tpu.memref_slice %arg5[%arg0, %arg1, %run_scoped3A_57, %dma_start3A, %dma_start3A_59] : memref<2x16x5x128x128xf32, #tpu.memory_space<hbm>> -> memref<1x1x1x128x128xf32, #tpu.memory_space<hbm>>
      %dma_start3A_61 = tpu.memref_squeeze %dma_start3A_60 : memref<1x1x1x128x128xf32, #tpu.memory_space<hbm>> -> memref<128x128xf32, #tpu.memory_space<hbm>>
      %dma_start3A_62 = arith.constant 0 : i32
      %dma_start3A_63 = tpu.memref_slice %arg9[%add3A_56, %dma_start3A_62] : memref<10240x128xf32, #tpu.memory_space<vmem_shared>> -> memref<128x128xf32, #tpu.memory_space<vmem_shared>>
      tpu.enqueue_dma source(%dma_start3A_63 : memref<128x128xf32, #tpu.memory_space<vmem_shared>>) target(%dma_start3A_61 : memref<128x128xf32, #tpu.memory_space<hbm>>) target_semaphore(%run_scoped3A_58 : memref<!tpu.dma_semaphore, #tpu.memory_space<semaphore_mem>>)
      %dma_wait3A = arith.constant 0 : i32
      %dma_wait3A_64 = arith.constant 0 : i32
      %dma_wait3A_65 = tpu.memref_slice %arg5[%arg0, %arg1, %run_scoped3A_57, %dma_wait3A, %dma_wait3A_64] : memref<2x16x5x128x128xf32, #tpu.memory_space<hbm>> -> memref<1x1x1x128x128xf32, #tpu.memory_space<hbm>>
      %dma_wait3A_66 = tpu.memref_squeeze %dma_wait3A_65 : memref<1x1x1x128x128xf32, #tpu.memory_space<hbm>> -> memref<128x128xf32, #tpu.memory_space<hbm>>
      %dma_wait3A_67 = arith.constant 0 : i32
      %dma_wait3A_68 = tpu.memref_slice %arg9[%add3A_56, %dma_wait3A_67] : memref<10240x128xf32, #tpu.memory_space<vmem_shared>> -> memref<128x128xf32, #tpu.memory_space<vmem_shared>>
      tpu.wait_dma2 semaphore(%run_scoped3A_58 : memref<!tpu.dma_semaphore, #tpu.memory_space<semaphore_mem>>) src(%dma_wait3A_68 : memref<128x128xf32, #tpu.memory_space<vmem_shared>>) dst(%dma_wait3A_66 : memref<128x128xf32, #tpu.memory_space<hbm>>)
      tpu.yield
    }) : () -> ()
    return
  }
}

module attributes {stable_mosaic.version = 14 : i64} {
  func.func @_tca_body(%arg0: i32, %arg1: memref<1024x128xf32, #tpu.memory_space<vmem>>, %arg2: memref<32x1024xf32, #tpu.memory_space<vmem>>, %arg3: memref<128x128xf32, #tpu.memory_space<vmem>>, %arg4: memref<128xf32, #tpu.memory_space<vmem>>, %arg5: memref<128x128xf32, #tpu.memory_space<vmem>>, %arg6: memref<1024x128xf32, #tpu.memory_space<vmem>>, %arg7: memref<1024x128xf32, #tpu.memory_space<vmem>>, %arg8: memref<1024xf32, #tpu.memory_space<vmem>>) attributes {dimension_semantics = [#tpu.dimension_semantics<arbitrary>], iteration_bounds = array<i64: 10>, scalar_prefetch = 0 : i64, scratch_operands = 0 : i64, tpu.core_type = #tpu.core_type<tc>, window_params = [{transform_indices = @transform_0, window_bounds = array<i64: 1024, 128>}, {transform_indices = @transform_1, window_bounds = array<i64: 32, 1024>}, {pipeline_mode = #tpu.pipeline_mode<synchronous>, transform_indices = @transform_2, window_bounds = array<i64: 128, 128>}, {pipeline_mode = #tpu.pipeline_mode<synchronous>, transform_indices = @transform_3, window_bounds = array<i64: 128>}, {pipeline_mode = #tpu.pipeline_mode<synchronous>, transform_indices = @transform_4, window_bounds = array<i64: 128, 128>}, {transform_indices = @transform_5, window_bounds = array<i64: 1024, 128>}, {transform_indices = @transform_6, window_bounds = array<i64: 1024, 128>}, {transform_indices = @transform_7, window_bounds = array<i64: 1024>}]} {
    %get3A = arith.constant 0 : index
    %get3A_0 = arith.constant 0 : index
    %get3A_1 = vector.load %arg2[%get3A, %get3A_0] : memref<32x1024xf32, #tpu.memory_space<vmem>>, vector<32x1024xf32>
    %reduce_sum3A = arith.constant dense<0.000000e+00> : vector<1024xf32>
    %reduce_sum3A_2 = vector.multi_reduction <add>, %get3A_1, %reduce_sum3A [0] : vector<32x1024xf32> to vector<1024xf32>
    %add3A = arith.constant 1.000000e+00 : f32
    %add3A_3 = vector.broadcast %add3A : f32 to vector<1024xf32>
    %add3A_4 = arith.addf %reduce_sum3A_2, %add3A_3 : vector<1024xf32>
    %rsqrt3A = math.rsqrt %add3A_4 : vector<1024xf32>
    %get3A_5 = arith.constant 0 : index
    %get3A_6 = arith.constant 0 : index
    %get3A_7 = vector.load %arg1[%get3A_5, %get3A_6] : memref<1024x128xf32, #tpu.memory_space<vmem>>, vector<1024x128xf32>
    %get3A_8 = arith.constant 0 : index
    %get3A_9 = arith.constant 0 : index
    %get3A_10 = vector.load %arg3[%get3A_8, %get3A_9] : memref<128x128xf32, #tpu.memory_space<vmem>>, vector<128x128xf32>
    %dot_general3A = arith.constant dense<0.000000e+00> : vector<1024x128xf32>
    %dot_general3A_11 = tpu.matmul %get3A_7, %get3A_10, %dot_general3A {dimension_numbers = #tpu.dot_dimension_numbers<[1], [0], [0], [1], [0, 0, 1, 1], [], []>, transpose_lhs_hint = false} : vector<1024x128xf32>, vector<128x128xf32>, vector<1024x128xf32> -> vector<1024x128xf32>
    %get3A_12 = arith.constant 0 : index
    %get3A_13 = vector.load %arg4[%get3A_12] : memref<128xf32, #tpu.memory_space<vmem>>, vector<128xf32>
    %broadcast_in_dim3A = vector.shape_cast %get3A_13 : vector<128xf32> to vector<1x128xf32>
    %add3A_14 = vector.broadcast %broadcast_in_dim3A : vector<1x128xf32> to vector<1024x128xf32>
    %add3A_15 = arith.addf %dot_general3A_11, %add3A_14 : vector<1024x128xf32>
    %ge3A = arith.constant 0.000000e+00 : f32
    %ge3A_16 = vector.broadcast %ge3A : f32 to vector<1024x128xf32>
    %ge3A_17 = arith.cmpf oge, %add3A_15, %ge3A_16 : vector<1024x128xf32>
    %mul3A = arith.constant 2.000000e-01 : f32
    %mul3A_18 = vector.broadcast %mul3A : f32 to vector<1024x128xf32>
    %mul3A_19 = arith.mulf %add3A_15, %mul3A_18 : vector<1024x128xf32>
    %select_n3A = arith.select %ge3A_17, %add3A_15, %mul3A_19 : vector<1024x128xi1>, vector<1024x128xf32>
    %get3A_20 = arith.constant 0 : index
    %get3A_21 = arith.constant 0 : index
    %get3A_22 = vector.load %arg5[%get3A_20, %get3A_21] : memref<128x128xf32, #tpu.memory_space<vmem>>, vector<128x128xf32>
    %dot_general3A_23 = arith.constant dense<0.000000e+00> : vector<1024x128xf32>
    %dot_general3A_24 = tpu.matmul %select_n3A, %get3A_22, %dot_general3A_23 {dimension_numbers = #tpu.dot_dimension_numbers<[1], [0], [0], [1], [0, 0, 1, 1], [], []>, transpose_lhs_hint = false} : vector<1024x128xf32>, vector<128x128xf32>, vector<1024x128xf32> -> vector<1024x128xf32>
    %broadcast_in_dim3A_25 = vector.shape_cast %rsqrt3A : vector<1024xf32> to vector<1024x1xf32>
    %mul3A_26 = vector.broadcast %broadcast_in_dim3A_25 : vector<1024x1xf32> to vector<1024x128xf32>
    %mul3A_27 = arith.mulf %dot_general3A_24, %mul3A_26 : vector<1024x128xf32>
    %swap3A = arith.constant 0 : index
    %swap3A_28 = arith.constant 0 : index
    %swap3A_29 = vector.load %arg6[%swap3A, %swap3A_28] : memref<1024x128xf32, #tpu.memory_space<vmem>>, vector<1024x128xf32>
    tpu.vector_store %arg6[%swap3A, %swap3A_28], %mul3A_27 {strides = array<i32>} : memref<1024x128xf32, #tpu.memory_space<vmem>>, vector<1024x128xf32>,
    %swap3A_30 = arith.constant 0 : index
    %swap3A_31 = arith.constant 0 : index
    %swap3A_32 = vector.load %arg7[%swap3A_30, %swap3A_31] : memref<1024x128xf32, #tpu.memory_space<vmem>>, vector<1024x128xf32>
    tpu.vector_store %arg7[%swap3A_30, %swap3A_31], %dot_general3A_24 {strides = array<i32>} : memref<1024x128xf32, #tpu.memory_space<vmem>>, vector<1024x128xf32>,
    %swap3A_33 = arith.constant 0 : index
    %swap3A_34 = vector.load %arg8[%swap3A_33] : memref<1024xf32, #tpu.memory_space<vmem>>, vector<1024xf32>
    tpu.vector_store %arg8[%swap3A_33], %rsqrt3A {strides = array<i32>} : memref<1024xf32, #tpu.memory_space<vmem>>, vector<1024xf32>,
    return
  }
  func.func @transform_0(%arg0: i32) -> (i32, i32) {
    %c0_i32 = arith.constant 0 : i32
    %c0_i32_0 = arith.constant 0 : i32
    return %arg0, %c0_i32 : i32, i32
  }
  func.func @transform_1(%arg0: i32) -> (i32, i32) {
    %c0_i32 = arith.constant 0 : i32
    %c0_i32_0 = arith.constant 0 : i32
    return %c0_i32, %arg0 : i32, i32
  }
  func.func @transform_2(%arg0: i32) -> (i32, i32) {
    %c0_i32 = arith.constant 0 : i32
    %c0_i32_0 = arith.constant 0 : i32
    %c0_i32_1 = arith.constant 0 : i32
    return %c0_i32, %c0_i32_0 : i32, i32
  }
  func.func @transform_3(%arg0: i32) -> i32 {
    %c0_i32 = arith.constant 0 : i32
    %c0_i32_0 = arith.constant 0 : i32
    return %c0_i32 : i32
  }
  func.func @transform_4(%arg0: i32) -> (i32, i32) {
    %c0_i32 = arith.constant 0 : i32
    %c0_i32_0 = arith.constant 0 : i32
    %c0_i32_1 = arith.constant 0 : i32
    return %c0_i32, %c0_i32_0 : i32, i32
  }
  func.func @transform_5(%arg0: i32) -> (i32, i32) {
    %c0_i32 = arith.constant 0 : i32
    %c0_i32_0 = arith.constant 0 : i32
    return %arg0, %c0_i32 : i32, i32
  }
  func.func @transform_6(%arg0: i32) -> (i32, i32) {
    %c0_i32 = arith.constant 0 : i32
    %c0_i32_0 = arith.constant 0 : i32
    return %arg0, %c0_i32 : i32, i32
  }
  func.func @transform_7(%arg0: i32) -> i32 {
    %c0_i32 = arith.constant 0 : i32
    return %arg0 : i32
  }
}

module attributes {stable_mosaic.version = 14 : i64} {
  func.func @_tcc_body(%arg0: i32, %arg1: memref<1024x128xf32, #tpu.memory_space<vmem>>, %arg2: memref<1024x128xf32, #tpu.memory_space<vmem>>, %arg3: memref<1024x128xf32, #tpu.memory_space<vmem>>, %arg4: memref<1024xf32, #tpu.memory_space<vmem>>, %arg5: memref<128xf32, #tpu.memory_space<vmem>>, %arg6: memref<128x128xf32, #tpu.memory_space<vmem>>, %arg7: memref<1024x128xf32, #tpu.memory_space<vmem>>, %arg8: memref<1024x128xf32, #tpu.memory_space<vmem>>) attributes {dimension_semantics = [#tpu.dimension_semantics<arbitrary>], iteration_bounds = array<i64: 10>, scalar_prefetch = 0 : i64, scratch_operands = 0 : i64, tpu.core_type = #tpu.core_type<tc>, window_params = [{transform_indices = @transform_0, window_bounds = array<i64: 1024, 128>}, {transform_indices = @transform_1, window_bounds = array<i64: 1024, 128>}, {transform_indices = @transform_2, window_bounds = array<i64: 1024, 128>}, {transform_indices = @transform_3, window_bounds = array<i64: 1024>}, {pipeline_mode = #tpu.pipeline_mode<synchronous>, transform_indices = @transform_4, window_bounds = array<i64: 128>}, {pipeline_mode = #tpu.pipeline_mode<synchronous>, transform_indices = @transform_5, window_bounds = array<i64: 128, 128>}, {transform_indices = @transform_6, window_bounds = array<i64: 1024, 128>}, {transform_indices = @transform_7, window_bounds = array<i64: 1024, 128>}]} {
    %get3A = arith.constant 0 : index
    %get3A_0 = vector.load %arg4[%get3A] : memref<1024xf32, #tpu.memory_space<vmem>>, vector<1024xf32>
    %get3A_1 = arith.constant 0 : index
    %get3A_2 = arith.constant 0 : index
    %get3A_3 = vector.load %arg1[%get3A_1, %get3A_2] : memref<1024x128xf32, #tpu.memory_space<vmem>>, vector<1024x128xf32>
    %get3A_4 = arith.constant 0 : index
    %get3A_5 = arith.constant 0 : index
    %get3A_6 = vector.load %arg2[%get3A_4, %get3A_5] : memref<1024x128xf32, #tpu.memory_space<vmem>>, vector<1024x128xf32>
    %add3A = arith.addf %get3A_3, %get3A_6 : vector<1024x128xf32>
    %broadcast_in_dim3A = vector.shape_cast %get3A_0 : vector<1024xf32> to vector<1024x1xf32>
    %mul3A = vector.broadcast %broadcast_in_dim3A : vector<1024x1xf32> to vector<1024x128xf32>
    %mul3A_7 = arith.mulf %add3A, %mul3A : vector<1024x128xf32>
    %get3A_8 = arith.constant 0 : index
    %get3A_9 = arith.constant 0 : index
    %get3A_10 = vector.load %arg3[%get3A_8, %get3A_9] : memref<1024x128xf32, #tpu.memory_space<vmem>>, vector<1024x128xf32>
    %mul3A_11 = arith.mulf %get3A_0, %get3A_0 : vector<1024xf32>
    %broadcast_in_dim3A_12 = vector.shape_cast %mul3A_11 : vector<1024xf32> to vector<1024x1xf32>
    %mul3A_13 = vector.broadcast %broadcast_in_dim3A_12 : vector<1024x1xf32> to vector<1024x128xf32>
    %mul3A_14 = arith.mulf %get3A_10, %mul3A_13 : vector<1024x128xf32>
    %add3A_15 = arith.addf %mul3A_7, %mul3A_14 : vector<1024x128xf32>
    %get3A_16 = arith.constant 0 : index
    %get3A_17 = vector.load %arg5[%get3A_16] : memref<128xf32, #tpu.memory_space<vmem>>, vector<128xf32>
    %broadcast_in_dim3A_18 = vector.shape_cast %get3A_17 : vector<128xf32> to vector<1x128xf32>
    %add3A_19 = vector.broadcast %broadcast_in_dim3A_18 : vector<1x128xf32> to vector<1024x128xf32>
    %add3A_20 = arith.addf %add3A_15, %add3A_19 : vector<1024x128xf32>
    %ge3A = arith.constant 0.000000e+00 : f32
    %ge3A_21 = vector.broadcast %ge3A : f32 to vector<1024x128xf32>
    %ge3A_22 = arith.cmpf oge, %add3A_20, %ge3A_21 : vector<1024x128xf32>
    %mul3A_23 = arith.constant 2.000000e-01 : f32
    %mul3A_24 = vector.broadcast %mul3A_23 : f32 to vector<1024x128xf32>
    %mul3A_25 = arith.mulf %add3A_20, %mul3A_24 : vector<1024x128xf32>
    %select_n3A = arith.select %ge3A_22, %add3A_20, %mul3A_25 : vector<1024x128xi1>, vector<1024x128xf32>
    %get3A_26 = arith.constant 0 : index
    %get3A_27 = arith.constant 0 : index
    %get3A_28 = vector.load %arg6[%get3A_26, %get3A_27] : memref<128x128xf32, #tpu.memory_space<vmem>>, vector<128x128xf32>
    %dot_general3A = arith.constant dense<0.000000e+00> : vector<1024x128xf32>
    %dot_general3A_29 = tpu.matmul %select_n3A, %get3A_28, %dot_general3A {dimension_numbers = #tpu.dot_dimension_numbers<[1], [0], [0], [1], [0, 0, 1, 1], [], []>, transpose_lhs_hint = false} : vector<1024x128xf32>, vector<128x128xf32>, vector<1024x128xf32> -> vector<1024x128xf32>
    %broadcast_in_dim3A_30 = vector.shape_cast %get3A_0 : vector<1024xf32> to vector<1024x1xf32>
    %mul3A_31 = vector.broadcast %broadcast_in_dim3A_30 : vector<1024x1xf32> to vector<1024x128xf32>
    %mul3A_32 = arith.mulf %dot_general3A_29, %mul3A_31 : vector<1024x128xf32>
    %swap3A = arith.constant 0 : index
    %swap3A_33 = arith.constant 0 : index
    %swap3A_34 = vector.load %arg7[%swap3A, %swap3A_33] : memref<1024x128xf32, #tpu.memory_space<vmem>>, vector<1024x128xf32>
    tpu.vector_store %arg7[%swap3A, %swap3A_33], %mul3A_32 {strides = array<i32>} : memref<1024x128xf32, #tpu.memory_space<vmem>>, vector<1024x128xf32>,
    %swap3A_35 = arith.constant 0 : index
    %swap3A_36 = arith.constant 0 : index
    %swap3A_37 = vector.load %arg8[%swap3A_35, %swap3A_36] : memref<1024x128xf32, #tpu.memory_space<vmem>>, vector<1024x128xf32>
    tpu.vector_store %arg8[%swap3A_35, %swap3A_36], %dot_general3A_29 {strides = array<i32>} : memref<1024x128xf32, #tpu.memory_space<vmem>>, vector<1024x128xf32>,
    return
  }
  func.func @transform_0(%arg0: i32) -> (i32, i32) {
    %c0_i32 = arith.constant 0 : i32
    %c0_i32_0 = arith.constant 0 : i32
    return %arg0, %c0_i32 : i32, i32
  }
  func.func @transform_1(%arg0: i32) -> (i32, i32) {
    %c0_i32 = arith.constant 0 : i32
    %c0_i32_0 = arith.constant 0 : i32
    return %arg0, %c0_i32 : i32, i32
  }
  func.func @transform_2(%arg0: i32) -> (i32, i32) {
    %c0_i32 = arith.constant 0 : i32
    %c0_i32_0 = arith.constant 0 : i32
    return %arg0, %c0_i32 : i32, i32
  }
  func.func @transform_3(%arg0: i32) -> i32 {
    %c0_i32 = arith.constant 0 : i32
    return %arg0 : i32
  }
  func.func @transform_4(%arg0: i32) -> i32 {
    %c0_i32 = arith.constant 0 : i32
    %c0_i32_0 = arith.constant 0 : i32
    return %c0_i32 : i32
  }
  func.func @transform_5(%arg0: i32) -> (i32, i32) {
    %c0_i32 = arith.constant 0 : i32
    %c0_i32_0 = arith.constant 0 : i32
    %c0_i32_1 = arith.constant 0 : i32
    return %c0_i32, %c0_i32_0 : i32, i32
  }
  func.func @transform_6(%arg0: i32) -> (i32, i32) {
    %c0_i32 = arith.constant 0 : i32
    %c0_i32_0 = arith.constant 0 : i32
    return %arg0, %c0_i32 : i32, i32
  }
  func.func @transform_7(%arg0: i32) -> (i32, i32) {
    %c0_i32 = arith.constant 0 : i32
    %c0_i32_0 = arith.constant 0 : i32
    return %arg0, %c0_i32 : i32, i32
  }
}

module attributes {stable_mosaic.version = 14 : i64} {
  func.func @_te1_body(%arg0: i32, %arg1: memref<1024x128xf32, #tpu.memory_space<vmem>>, %arg2: memref<1024x128xf32, #tpu.memory_space<vmem>>, %arg3: memref<1024x128xf32, #tpu.memory_space<vmem>>, %arg4: memref<1024xf32, #tpu.memory_space<vmem>>, %arg5: memref<128xf32, #tpu.memory_space<vmem>>, %arg6: memref<128x128xf32, #tpu.memory_space<vmem>>, %arg7: memref<1024xi32, #tpu.memory_space<vmem>>, %arg8: memref<128xf32, #tpu.memory_space<vmem>>, %arg9: memref<128x16xf32, #tpu.memory_space<vmem>>, %arg10: memref<16xf32, #tpu.memory_space<vmem>>, %arg11: memref<1024x16xf32, #tpu.memory_space<vmem>>, %arg12: memref<128x128xf32, #tpu.memory_space<vmem>>) attributes {dimension_semantics = [#tpu.dimension_semantics<arbitrary>], iteration_bounds = array<i64: 10>, scalar_prefetch = 0 : i64, scratch_operands = 0 : i64, tpu.core_type = #tpu.core_type<tc>, window_params = [{transform_indices = @transform_0, window_bounds = array<i64: 1024, 128>}, {transform_indices = @transform_1, window_bounds = array<i64: 1024, 128>}, {transform_indices = @transform_2, window_bounds = array<i64: 1024, 128>}, {transform_indices = @transform_3, window_bounds = array<i64: 1024>}, {pipeline_mode = #tpu.pipeline_mode<synchronous>, transform_indices = @transform_4, window_bounds = array<i64: 128>}, {pipeline_mode = #tpu.pipeline_mode<synchronous>, transform_indices = @transform_5, window_bounds = array<i64: 128, 128>}, {transform_indices = @transform_6, window_bounds = array<i64: 1024>}, {pipeline_mode = #tpu.pipeline_mode<synchronous>, transform_indices = @transform_7, window_bounds = array<i64: 128>}, {pipeline_mode = #tpu.pipeline_mode<synchronous>, transform_indices = @transform_8, window_bounds = array<i64: 128, 16>}, {pipeline_mode = #tpu.pipeline_mode<synchronous>, transform_indices = @transform_9, window_bounds = array<i64: 16>}, {transform_indices = @transform_10, window_bounds = array<i64: 1024, 16>}, {pipeline_mode = #tpu.pipeline_mode<synchronous>, transform_indices = @transform_11, window_bounds = array<i64: 128, 128>}]} {
    %get3A = arith.constant 0 : index
    %get3A_0 = vector.load %arg4[%get3A] : memref<1024xf32, #tpu.memory_space<vmem>>, vector<1024xf32>
    %get3A_1 = arith.constant 0 : index
    %get3A_2 = arith.constant 0 : index
    %get3A_3 = vector.load %arg1[%get3A_1, %get3A_2] : memref<1024x128xf32, #tpu.memory_space<vmem>>, vector<1024x128xf32>
    %get3A_4 = arith.constant 0 : index
    %get3A_5 = arith.constant 0 : index
    %get3A_6 = vector.load %arg2[%get3A_4, %get3A_5] : memref<1024x128xf32, #tpu.memory_space<vmem>>, vector<1024x128xf32>
    %add3A = arith.addf %get3A_3, %get3A_6 : vector<1024x128xf32>
    %broadcast_in_dim3A = vector.shape_cast %get3A_0 : vector<1024xf32> to vector<1024x1xf32>
    %mul3A = vector.broadcast %broadcast_in_dim3A : vector<1024x1xf32> to vector<1024x128xf32>
    %mul3A_7 = arith.mulf %add3A, %mul3A : vector<1024x128xf32>
    %get3A_8 = arith.constant 0 : index
    %get3A_9 = arith.constant 0 : index
    %get3A_10 = vector.load %arg3[%get3A_8, %get3A_9] : memref<1024x128xf32, #tpu.memory_space<vmem>>, vector<1024x128xf32>
    %mul3A_11 = arith.mulf %get3A_0, %get3A_0 : vector<1024xf32>
    %broadcast_in_dim3A_12 = vector.shape_cast %mul3A_11 : vector<1024xf32> to vector<1024x1xf32>
    %mul3A_13 = vector.broadcast %broadcast_in_dim3A_12 : vector<1024x1xf32> to vector<1024x128xf32>
    %mul3A_14 = arith.mulf %get3A_10, %mul3A_13 : vector<1024x128xf32>
    %add3A_15 = arith.addf %mul3A_7, %mul3A_14 : vector<1024x128xf32>
    %get3A_16 = arith.constant 0 : index
    %get3A_17 = vector.load %arg5[%get3A_16] : memref<128xf32, #tpu.memory_space<vmem>>, vector<128xf32>
    %broadcast_in_dim3A_18 = vector.shape_cast %get3A_17 : vector<128xf32> to vector<1x128xf32>
    %add3A_19 = vector.broadcast %broadcast_in_dim3A_18 : vector<1x128xf32> to vector<1024x128xf32>
    %add3A_20 = arith.addf %add3A_15, %add3A_19 : vector<1024x128xf32>
    %ge3A = arith.constant 0.000000e+00 : f32
    %ge3A_21 = vector.broadcast %ge3A : f32 to vector<1024x128xf32>
    %ge3A_22 = arith.cmpf oge, %add3A_20, %ge3A_21 : vector<1024x128xf32>
    %mul3A_23 = arith.constant 2.000000e-01 : f32
    %mul3A_24 = vector.broadcast %mul3A_23 : f32 to vector<1024x128xf32>
    %mul3A_25 = arith.mulf %add3A_20, %mul3A_24 : vector<1024x128xf32>
    %select_n3A = arith.select %ge3A_22, %add3A_20, %mul3A_25 : vector<1024x128xi1>, vector<1024x128xf32>
    %get3A_26 = arith.constant 0 : index
    %get3A_27 = arith.constant 0 : index
    %get3A_28 = vector.load %arg6[%get3A_26, %get3A_27] : memref<128x128xf32, #tpu.memory_space<vmem>>, vector<128x128xf32>
    %dot_general3A = arith.constant dense<0.000000e+00> : vector<1024x128xf32>
    %dot_general3A_29 = tpu.matmul %select_n3A, %get3A_28, %dot_general3A {dimension_numbers = #tpu.dot_dimension_numbers<[1], [0], [0], [1], [0, 0, 1, 1], [], []>, transpose_lhs_hint = false} : vector<1024x128xf32>, vector<128x128xf32>, vector<1024x128xf32> -> vector<1024x128xf32>
    %get3A_30 = arith.constant 0 : index
    %get3A_31 = vector.load %arg8[%get3A_30] : memref<128xf32, #tpu.memory_space<vmem>>, vector<128xf32>
    %broadcast_in_dim3A_32 = vector.shape_cast %get3A_31 : vector<128xf32> to vector<1x128xf32>
    %add3A_33 = vector.broadcast %broadcast_in_dim3A_32 : vector<1x128xf32> to vector<1024x128xf32>
    %add3A_34 = arith.addf %dot_general3A_29, %add3A_33 : vector<1024x128xf32>
    %ge3A_35 = arith.constant 0.000000e+00 : f32
    %ge3A_36 = vector.broadcast %ge3A_35 : f32 to vector<1024x128xf32>
    %ge3A_37 = arith.cmpf oge, %add3A_34, %ge3A_36 : vector<1024x128xf32>
    %mul3A_38 = arith.constant 2.000000e-01 : f32
    %mul3A_39 = vector.broadcast %mul3A_38 : f32 to vector<1024x128xf32>
    %mul3A_40 = arith.mulf %add3A_34, %mul3A_39 : vector<1024x128xf32>
    %select_n3A_41 = arith.select %ge3A_37, %add3A_34, %mul3A_40 : vector<1024x128xi1>, vector<1024x128xf32>
    %get3A_42 = arith.constant 0 : index
    %get3A_43 = arith.constant 0 : index
    %get3A_44 = vector.load %arg9[%get3A_42, %get3A_43] : memref<128x16xf32, #tpu.memory_space<vmem>>, vector<128x16xf32>
    %dot_general3A_45 = arith.constant dense<0.000000e+00> : vector<1024x16xf32>
    %dot_general3A_46 = tpu.matmul %select_n3A_41, %get3A_44, %dot_general3A_45 {dimension_numbers = #tpu.dot_dimension_numbers<[1], [0], [0], [1], [0, 0, 1, 1], [], []>, transpose_lhs_hint = false} : vector<1024x128xf32>, vector<128x16xf32>, vector<1024x16xf32> -> vector<1024x16xf32>
    %get3A_47 = arith.constant 0 : index
    %get3A_48 = vector.load %arg10[%get3A_47] : memref<16xf32, #tpu.memory_space<vmem>>, vector<16xf32>
    %broadcast_in_dim3A_49 = vector.shape_cast %get3A_48 : vector<16xf32> to vector<1x16xf32>
    %add3A_50 = vector.broadcast %broadcast_in_dim3A_49 : vector<1x16xf32> to vector<1024x16xf32>
    %add3A_51 = arith.addf %dot_general3A_46, %add3A_50 : vector<1024x16xf32>
    %reduce_max3A = arith.constant dense<0xFF800000> : vector<1024xf32>
    %reduce_max3A_52 = vector.multi_reduction <maximumf>, %add3A_51, %reduce_max3A [1] : vector<1024x16xf32> to vector<1024xf32>
    %broadcast_in_dim3A_53 = vector.shape_cast %reduce_max3A_52 : vector<1024xf32> to vector<1024x1xf32>
    %sub3A = vector.broadcast %broadcast_in_dim3A_53 : vector<1024x1xf32> to vector<1024x16xf32>
    %sub3A_54 = arith.subf %add3A_51, %sub3A : vector<1024x16xf32>
    %exp3A = math.exp %sub3A_54 : vector<1024x16xf32>
    %reduce_sum3A = arith.constant dense<0.000000e+00> : vector<1024xf32>
    %reduce_sum3A_55 = vector.multi_reduction <add>, %exp3A, %reduce_sum3A [1] : vector<1024x16xf32> to vector<1024xf32>
    %broadcast_in_dim3A_56 = vector.shape_cast %reduce_sum3A_55 : vector<1024xf32> to vector<1024x1xf32>
    %log3A = math.log %broadcast_in_dim3A_56 : vector<1024x1xf32>
    %sub3A_57 = vector.broadcast %log3A : vector<1024x1xf32> to vector<1024x16xf32>
    %sub3A_58 = arith.subf %sub3A_54, %sub3A_57 : vector<1024x16xf32>
    %swap3A = arith.constant 0 : index
    %swap3A_59 = arith.constant 0 : index
    %swap3A_60 = vector.load %arg11[%swap3A, %swap3A_59] : memref<1024x16xf32, #tpu.memory_space<vmem>>, vector<1024x16xf32>
    tpu.vector_store %arg11[%swap3A, %swap3A_59], %sub3A_58 {strides = array<i32>} : memref<1024x16xf32, #tpu.memory_space<vmem>>, vector<1024x16xf32>,
    %iota3A = tpu.iota {dimensions = array<i32: 0>} : vector<128x1024xi32>
    %get3A_61 = arith.constant 0 : index
    %get3A_62 = vector.load %arg7[%get3A_61] : memref<1024xi32, #tpu.memory_space<vmem>>, vector<1024xi32>
    %broadcast_in_dim3A_63 = vector.shape_cast %get3A_62 : vector<1024xi32> to vector<1x1024xi32>
    %eq3A = vector.broadcast %broadcast_in_dim3A_63 : vector<1x1024xi32> to vector<128x1024xi32>
    %eq3A_64 = arith.cmpi eq, %iota3A, %eq3A : vector<128x1024xi32>
    %jit3A = arith.constant 1.000000e+00 : f32
    %jit3A_65 = arith.constant 0.000000e+00 : f32
    %broadcast_in_dim3A_66 = vector.broadcast %jit3A : f32 to vector<128x1024xf32>
    %broadcast_in_dim3A_67 = vector.broadcast %jit3A_65 : f32 to vector<128x1024xf32>
    %select_n3A_68 = arith.select %eq3A_64, %broadcast_in_dim3A_66, %broadcast_in_dim3A_67 : vector<128x1024xi1>, vector<128x1024xf32>
    %dot_general3A_69 = arith.constant dense<0.000000e+00> : vector<128x128xf32>
    %dot_general3A_70 = tpu.matmul %select_n3A_68, %dot_general3A_29, %dot_general3A_69 {dimension_numbers = #tpu.dot_dimension_numbers<[1], [0], [0], [1], [0, 0, 1, 1], [], []>, transpose_lhs_hint = false} : vector<128x1024xf32>, vector<1024x128xf32>, vector<128x128xf32> -> vector<128x128xf32>
    %eq3A_71 = arith.constant 0 : i32
    %eq3A_72 = arith.cmpi eq, %arg0, %eq3A_71 : i32
    %convert_element_type3A = arith.extui %eq3A_72 : i1 to i32
    %cond3A = arith.constant 0 : i32
    %cond3A_73 = arith.cmpi ne, %convert_element_type3A, %cond3A : i32
    scf.if %cond3A_73 {
      %swap3A_78 = arith.constant 0 : index
      %swap3A_79 = arith.constant 0 : index
      %swap3A_80 = vector.load %arg12[%swap3A_78, %swap3A_79] : memref<128x128xf32, #tpu.memory_space<vmem>>, vector<128x128xf32>
      tpu.vector_store %arg12[%swap3A_78, %swap3A_79], %dot_general3A_70 {strides = array<i32>} : memref<128x128xf32, #tpu.memory_space<vmem>>, vector<128x128xf32>,
    } else {
    }
    %ne3A = arith.constant 0 : i32
    %ne3A_74 = arith.cmpi ne, %arg0, %ne3A : i32
    %convert_element_type3A_75 = arith.extui %ne3A_74 : i1 to i32
    %cond3A_76 = arith.constant 0 : i32
    %cond3A_77 = arith.cmpi ne, %convert_element_type3A_75, %cond3A_76 : i32
    scf.if %cond3A_77 {
      %get3A_78 = arith.constant 0 : index
      %get3A_79 = arith.constant 0 : index
      %get3A_80 = vector.load %arg12[%get3A_78, %get3A_79] : memref<128x128xf32, #tpu.memory_space<vmem>>, vector<128x128xf32>
      %add3A_81 = arith.addf %get3A_80, %dot_general3A_70 : vector<128x128xf32>
      %swap3A_82 = arith.constant 0 : index
      %swap3A_83 = arith.constant 0 : index
      %swap3A_84 = vector.load %arg12[%swap3A_82, %swap3A_83] : memref<128x128xf32, #tpu.memory_space<vmem>>, vector<128x128xf32>
      tpu.vector_store %arg12[%swap3A_82, %swap3A_83], %add3A_81 {strides = array<i32>} : memref<128x128xf32, #tpu.memory_space<vmem>>, vector<128x128xf32>,
    } else {
    }
    return
  }
  func.func @transform_0(%arg0: i32) -> (i32, i32) {
    %c0_i32 = arith.constant 0 : i32
    %c0_i32_0 = arith.constant 0 : i32
    return %arg0, %c0_i32 : i32, i32
  }
  func.func @transform_1(%arg0: i32) -> (i32, i32) {
    %c0_i32 = arith.constant 0 : i32
    %c0_i32_0 = arith.constant 0 : i32
    return %arg0, %c0_i32 : i32, i32
  }
  func.func @transform_2(%arg0: i32) -> (i32, i32) {
    %c0_i32 = arith.constant 0 : i32
    %c0_i32_0 = arith.constant 0 : i32
    return %arg0, %c0_i32 : i32, i32
  }
  func.func @transform_3(%arg0: i32) -> i32 {
    %c0_i32 = arith.constant 0 : i32
    return %arg0 : i32
  }
  func.func @transform_4(%arg0: i32) -> i32 {
    %c0_i32 = arith.constant 0 : i32
    %c0_i32_0 = arith.constant 0 : i32
    return %c0_i32 : i32
  }
  func.func @transform_5(%arg0: i32) -> (i32, i32) {
    %c0_i32 = arith.constant 0 : i32
    %c0_i32_0 = arith.constant 0 : i32
    %c0_i32_1 = arith.constant 0 : i32
    return %c0_i32, %c0_i32_0 : i32, i32
  }
  func.func @transform_6(%arg0: i32) -> i32 {
    %c0_i32 = arith.constant 0 : i32
    return %arg0 : i32
  }
  func.func @transform_7(%arg0: i32) -> i32 {
    %c0_i32 = arith.constant 0 : i32
    %c0_i32_0 = arith.constant 0 : i32
    return %c0_i32 : i32
  }
  func.func @transform_8(%arg0: i32) -> (i32, i32) {
    %c0_i32 = arith.constant 0 : i32
    %c0_i32_0 = arith.constant 0 : i32
    %c0_i32_1 = arith.constant 0 : i32
    return %c0_i32, %c0_i32_0 : i32, i32
  }
  func.func @transform_9(%arg0: i32) -> i32 {
    %c0_i32 = arith.constant 0 : i32
    %c0_i32_0 = arith.constant 0 : i32
    return %c0_i32 : i32
  }
  func.func @transform_10(%arg0: i32) -> (i32, i32) {
    %c0_i32 = arith.constant 0 : i32
    %c0_i32_0 = arith.constant 0 : i32
    return %arg0, %c0_i32 : i32, i32
  }
  func.func @transform_11(%arg0: i32) -> (i32, i32) {
    %c0_i32 = arith.constant 0 : i32
    %c0_i32_0 = arith.constant 0 : i32
    %c0_i32_1 = arith.constant 0 : i32
    return %c0_i32, %c0_i32_0 : i32, i32
  }
}

module attributes {stable_mosaic.version = 14 : i64} {
  func.func @_te2_body(%arg0: memref<128x128xf32, #tpu.memory_space<vmem>>, %arg1: memref<32x128xf32, #tpu.memory_space<vmem>>, %arg2: memref<104x128xf32, #tpu.memory_space<vmem>>, %arg3: memref<128x128xf32, #tpu.memory_space<vmem>>, %arg4: memref<128xf32, #tpu.memory_space<vmem>>, %arg5: memref<128x128xf32, #tpu.memory_space<vmem>>, %arg6: memref<128xf32, #tpu.memory_space<vmem>>, %arg7: memref<128x16xf32, #tpu.memory_space<vmem>>, %arg8: memref<16xf32, #tpu.memory_space<vmem>>, %arg9: memref<104x16xf32, #tpu.memory_space<vmem>>) attributes {dimension_semantics = [], scalar_prefetch = 0 : i64, scratch_operands = 0 : i64, tpu.core_type = #tpu.core_type<tc>} {
    %get3A = arith.constant 0 : index
    %get3A_0 = arith.constant 0 : index
    %get3A_1 = vector.load %arg1[%get3A, %get3A_0] : memref<32x128xf32, #tpu.memory_space<vmem>>, vector<32x128xf32>
    %reduce_sum3A = arith.constant dense<0.000000e+00> : vector<128xf32>
    %reduce_sum3A_2 = vector.multi_reduction <add>, %get3A_1, %reduce_sum3A [0] : vector<32x128xf32> to vector<128xf32>
    %add3A = arith.constant 1.000000e+00 : f32
    %add3A_3 = vector.broadcast %add3A : f32 to vector<128xf32>
    %add3A_4 = arith.addf %reduce_sum3A_2, %add3A_3 : vector<128xf32>
    %rsqrt3A = math.rsqrt %add3A_4 : vector<128xf32>
    %get3A_5 = arith.constant 0 : index
    %get3A_6 = arith.constant 0 : index
    %get3A_7 = vector.load %arg2[%get3A_5, %get3A_6] : memref<104x128xf32, #tpu.memory_space<vmem>>, vector<104x128xf32>
    %get3A_8 = arith.constant 0 : index
    %get3A_9 = arith.constant 0 : index
    %get3A_10 = vector.load %arg3[%get3A_8, %get3A_9] : memref<128x128xf32, #tpu.memory_space<vmem>>, vector<128x128xf32>
    %dot_general3A = arith.constant dense<0.000000e+00> : vector<104x128xf32>
    %dot_general3A_11 = tpu.matmul %get3A_7, %get3A_10, %dot_general3A {dimension_numbers = #tpu.dot_dimension_numbers<[1], [0], [0], [1], [0, 0, 1, 1], [], []>, transpose_lhs_hint = false} : vector<104x128xf32>, vector<128x128xf32>, vector<104x128xf32> -> vector<104x128xf32>
    %get3A_12 = arith.constant 0 : index
    %get3A_13 = vector.load %arg4[%get3A_12] : memref<128xf32, #tpu.memory_space<vmem>>, vector<128xf32>
    %broadcast_in_dim3A = vector.shape_cast %get3A_13 : vector<128xf32> to vector<1x128xf32>
    %add3A_14 = vector.broadcast %broadcast_in_dim3A : vector<1x128xf32> to vector<104x128xf32>
    %add3A_15 = arith.addf %dot_general3A_11, %add3A_14 : vector<104x128xf32>
    %ge3A = arith.constant 0.000000e+00 : f32
    %ge3A_16 = vector.broadcast %ge3A : f32 to vector<104x128xf32>
    %ge3A_17 = arith.cmpf oge, %add3A_15, %ge3A_16 : vector<104x128xf32>
    %mul3A = arith.constant 2.000000e-01 : f32
    %mul3A_18 = vector.broadcast %mul3A : f32 to vector<104x128xf32>
    %mul3A_19 = arith.mulf %add3A_15, %mul3A_18 : vector<104x128xf32>
    %select_n3A = arith.select %ge3A_17, %add3A_15, %mul3A_19 : vector<104x128xi1>, vector<104x128xf32>
    %get3A_20 = arith.constant 0 : index
    %get3A_21 = arith.constant 0 : index
    %get3A_22 = vector.load %arg5[%get3A_20, %get3A_21] : memref<128x128xf32, #tpu.memory_space<vmem>>, vector<128x128xf32>
    %dot_general3A_23 = arith.constant dense<0.000000e+00> : vector<104x128xf32>
    %dot_general3A_24 = tpu.matmul %select_n3A, %get3A_22, %dot_general3A_23 {dimension_numbers = #tpu.dot_dimension_numbers<[1], [0], [0], [1], [0, 0, 1, 1], [], []>, transpose_lhs_hint = false} : vector<104x128xf32>, vector<128x128xf32>, vector<104x128xf32> -> vector<104x128xf32>
    %get3A_25 = arith.constant 0 : index
    %get3A_26 = arith.constant 0 : index
    %get3A_27 = vector.load %arg0[%get3A_25, %get3A_26] : memref<128x128xf32, #tpu.memory_space<vmem>>, vector<104x128xf32>
    %slice3A = vector.extract_strided_slice %rsqrt3A {offsets = [0], sizes = [104], strides = [1]} : vector<128xf32> to vector<104xf32>
    %broadcast_in_dim3A_28 = vector.shape_cast %slice3A : vector<104xf32> to vector<104x1xf32>
    %mul3A_29 = vector.broadcast %broadcast_in_dim3A_28 : vector<104x1xf32> to vector<104x128xf32>
    %mul3A_30 = arith.mulf %get3A_27, %mul3A_29 : vector<104x128xf32>
    %mul3A_31 = arith.mulf %slice3A, %slice3A : vector<104xf32>
    %broadcast_in_dim3A_32 = vector.shape_cast %mul3A_31 : vector<104xf32> to vector<104x1xf32>
    %mul3A_33 = vector.broadcast %broadcast_in_dim3A_32 : vector<104x1xf32> to vector<104x128xf32>
    %mul3A_34 = arith.mulf %dot_general3A_24, %mul3A_33 : vector<104x128xf32>
    %add3A_35 = arith.addf %mul3A_30, %mul3A_34 : vector<104x128xf32>
    %get3A_36 = arith.constant 0 : index
    %get3A_37 = vector.load %arg6[%get3A_36] : memref<128xf32, #tpu.memory_space<vmem>>, vector<128xf32>
    %broadcast_in_dim3A_38 = vector.shape_cast %get3A_37 : vector<128xf32> to vector<1x128xf32>
    %add3A_39 = vector.broadcast %broadcast_in_dim3A_38 : vector<1x128xf32> to vector<104x128xf32>
    %add3A_40 = arith.addf %add3A_35, %add3A_39 : vector<104x128xf32>
    %ge3A_41 = arith.constant 0.000000e+00 : f32
    %ge3A_42 = vector.broadcast %ge3A_41 : f32 to vector<104x128xf32>
    %ge3A_43 = arith.cmpf oge, %add3A_40, %ge3A_42 : vector<104x128xf32>
    %mul3A_44 = arith.constant 2.000000e-01 : f32
    %mul3A_45 = vector.broadcast %mul3A_44 : f32 to vector<104x128xf32>
    %mul3A_46 = arith.mulf %add3A_40, %mul3A_45 : vector<104x128xf32>
    %select_n3A_47 = arith.select %ge3A_43, %add3A_40, %mul3A_46 : vector<104x128xi1>, vector<104x128xf32>
    %get3A_48 = arith.constant 0 : index
    %get3A_49 = arith.constant 0 : index
    %get3A_50 = vector.load %arg7[%get3A_48, %get3A_49] : memref<128x16xf32, #tpu.memory_space<vmem>>, vector<128x16xf32>
    %dot_general3A_51 = arith.constant dense<0.000000e+00> : vector<104x16xf32>
    %dot_general3A_52 = tpu.matmul %select_n3A_47, %get3A_50, %dot_general3A_51 {dimension_numbers = #tpu.dot_dimension_numbers<[1], [0], [0], [1], [0, 0, 1, 1], [], []>, transpose_lhs_hint = false} : vector<104x128xf32>, vector<128x16xf32>, vector<104x16xf32> -> vector<104x16xf32>
    %get3A_53 = arith.constant 0 : index
    %get3A_54 = vector.load %arg8[%get3A_53] : memref<16xf32, #tpu.memory_space<vmem>>, vector<16xf32>
    %broadcast_in_dim3A_55 = vector.shape_cast %get3A_54 : vector<16xf32> to vector<1x16xf32>
    %add3A_56 = vector.broadcast %broadcast_in_dim3A_55 : vector<1x16xf32> to vector<104x16xf32>
    %add3A_57 = arith.addf %dot_general3A_52, %add3A_56 : vector<104x16xf32>
    %reduce_max3A = arith.constant dense<0xFF800000> : vector<104xf32>
    %reduce_max3A_58 = vector.multi_reduction <maximumf>, %add3A_57, %reduce_max3A [1] : vector<104x16xf32> to vector<104xf32>
    %broadcast_in_dim3A_59 = vector.shape_cast %reduce_max3A_58 : vector<104xf32> to vector<104x1xf32>
    %sub3A = vector.broadcast %broadcast_in_dim3A_59 : vector<104x1xf32> to vector<104x16xf32>
    %sub3A_60 = arith.subf %add3A_57, %sub3A : vector<104x16xf32>
    %exp3A = math.exp %sub3A_60 : vector<104x16xf32>
    %reduce_sum3A_61 = arith.constant dense<0.000000e+00> : vector<104xf32>
    %reduce_sum3A_62 = vector.multi_reduction <add>, %exp3A, %reduce_sum3A_61 [1] : vector<104x16xf32> to vector<104xf32>
    %broadcast_in_dim3A_63 = vector.shape_cast %reduce_sum3A_62 : vector<104xf32> to vector<104x1xf32>
    %log3A = math.log %broadcast_in_dim3A_63 : vector<104x1xf32>
    %sub3A_64 = vector.broadcast %log3A : vector<104x1xf32> to vector<104x16xf32>
    %sub3A_65 = arith.subf %sub3A_60, %sub3A_64 : vector<104x16xf32>
    %swap3A = arith.constant 0 : index
    %swap3A_66 = arith.constant 0 : index
    %swap3A_67 = vector.load %arg9[%swap3A, %swap3A_66] : memref<104x16xf32, #tpu.memory_space<vmem>>, vector<104x16xf32>
    tpu.vector_store %arg9[%swap3A, %swap3A_66], %sub3A_65 {strides = array<i32>} : memref<104x16xf32, #tpu.memory_space<vmem>>, vector<104x16xf32>,
    return
  }
}

</mosaic_0001>

<sc_bundles>
// kernel: kernel.12.cloned.1.call-start
scs
__scs_entry_jumppad:
0x0: {  	(pc) =	sbr.rel $0x88, $3  }
0x1: {  	(tag) =	ssettag $0x0;
	lr =	simm.s32 $0x1  }
0x2: {  	[smem:$0x3F91] =	sst lr;
	_ =	strace $0xD0000000  }
0x3: {  	_ = 	snop  }
0x4: {  	_ = 	snop  }
0x5: {  	_ = 	snop  }
0x6: {  	_ = 	snop  }
0x7: {  	_ = 	snop  }
__scs_overlays_trampoline_lowered:
0x8: {  	[smem:$0x3FA0] =	sst s0  }
0x9: {  	[smem:$0x3FA1] =	sst s1  }
0xa: {  	[smem:$0x3FA2] =	sst s2  }
0xb: {  	[smem:$0x3FA3] =	sst s3  }
0xc: {  	[smem:$0x3FA4] =	sst s4  }
0xd: {  	[smem:$0x3FA5] =	sst s5  }
0xe: {  	[smem:$0x3FA6] =	sst s6  }
0xf: {  	[smem:$0x3FA7] =	sst s7  }
0x10: {  	[smem:$0x3FA8] =	sst s8  }
0x11: {  	[smem:$0x3FA9] =	sst s9;
	s0 =	simm.s32 @!p0 $0x0  }
0x12: {  	s1 =	sld [smem:$0x3F8F];
	s0 =	simm.s32 @p0 $0x1  }
0x13: {  	[smem:$0x3FAA] =	sst s0;
	s0 =	simm.s32 @!p1 $0x0  }
0x14: {  	s2 =	sld [smem:$0x3F8E];
	s0 =	simm.s32 @p1 $0x1  }
0x15: {  	[smem:$0x3FAB] =	sst s0;
	s0 =	simm.s32 @!p2 $0x0  }
0x16: {  	s3 =	sld [smem:$0x3FDB];
	s0 =	simm.s32 @p2 $0x1  }
0x17: {  	s4 =	simm.s32 $0x1BF5;
	[smem:$0x3FAD] =	sst s0  }
0x18: {  	s0 =	sld [smem:$0x3F90];
	_ =	swait.ge [sflag:s4], $0x0  }
0x19: {  	s7 =	sld [smem:$0x3F91]  }
0x1a: {  	s8 =	sadd.s32 $0xFFFFE003, lr  }
0x1b: {  	s9 =	sadd.s32 $0xFFFFFEF7, lr;
	s5 =	simm.s32 $0xFFFFFFFF;
	p2 =	slt.u32 s8, $0xFFFFF086  }
0x1c: {  	p1 =	slt.u32 s9, $0xF7A;
	s5 =	simm.s32 @!p2 $0x0  }
0x1d: {  	s5 =	simm.s32 @p1 $0x1;
	p0 =	seq.s32 s7, s2  }
0x1e: {  	s7 =	smul.u32 @!p0 $0xF7A, s2;
	p2 =	seq.s32 @!p0 s5, $0x0  }
0x1f: {  	s9 =	smul.u32 $0xF7A, s1;
	s8 =	simm.s32 @!p0 $0x1BF5;
	p2 =	por !p2, p0  }
0x20: {  	[sflag:s8] =	ssyncset.s32 @!p0 $0xFFFFF086;
	s6 =	sadd.s32 @!p0 s3, s7;
	s7 =	simm.s32 @!p0 $0x108  }
0x21: {  	s3 =	sadd.s32 s3, s9;
	s6 =	sadd.s32 @!p0 $0x88, s6;
	s7 =	simm.s32 @p2 $0x1082  }
0x22: {  	[simem:s7], [sflag:s8] =	dma.local @!p0 [hbm:s6], $0xF7A  }
0x23: {  	s9 =	sor.u32 $0xD0000000, s2;
	s6 =	simm.s32 $0x108;
	_ =	swait.ge @!p0 [sflag:s8], $0x0  }
0x24: {  	s3 =	sadd.s32 $0x88, s3;
	s6 =	simm.s32 @!p1 $0x1082;
	[sflag:s4] =	ssyncset.s32 $0xFFFFF086  }
0x25: {  	[simem:s6], [sflag:s4] =	dma.local [hbm:s3], $0xF7A  }
0x26: {  	[smem:$0x3F91] =	sst s1;
	(tag) =	ssettag s2;
	_ =	strace s9  }
0x27: {  	s1 =	sld [smem:$0x3FA1]  }
0x28: {  	s2 =	sld [smem:$0x3FA2]  }
0x29: {  	s4 =	sld [smem:$0x3FA4]  }
0x2a: {  	p0 =	seq.s32 s5, $0x0;
	s5 =	sld [smem:$0x3FA5]  }
0x2b: {  	s6 =	sld [smem:$0x3FA6]  }
0x2c: {  	s7 =	sld [smem:$0x3FA7]  }
0x2d: {  	s3 =	simm.s32 $0x108;
	s8 =	sld [smem:$0x3FA8]  }
0x2e: {  	s3 =	simm.s32 @!p0 $0x1082;
	s9 =	sld [smem:$0x3FA9]  }
0x2f: {  	lr =	sadd.s32 s0, s3;
	s0 =	sld [smem:$0x3FA0]  }
0x30: {  	s3 =	sld [smem:$0x3FA3]  }
0x31: {  	[smem:$0x3FAC] =	sst s10  }
0x32: {  	s10 =	sld [smem:$0x3FAA];
	_ =	sdelay $0x3  }
0x33: {  	p0 =	seq.s32 s10, $0x1;
	s10 =	sld [smem:$0x3FAC];
	_ =	sdelay $0x3  }
0x34: {  	[smem:$0x3FAC] =	sst s10  }
0x35: {  	s10 =	sld [smem:$0x3FAB];
	_ =	sdelay $0x3  }
0x36: {  	p1 =	seq.s32 s10, $0x1;
	s10 =	sld [smem:$0x3FAC];
	_ =	sdelay $0x3  }
0x37: {  	[smem:$0x3FAC] =	sst s10  }
0x38: {  	s10 =	sld [smem:$0x3FAD]  }
0x39: {  	_ = 	snop;
	(pc) =	sbr.ind lr, $3  }
0x3a: {  	_ = 	snop  }
0x3b: {  	_ = 	snop  }
0x3c: {  	p2 =	seq.s32 s10, $0x1;
	s10 =	sld [smem:$0x3FAC]  }
0x3d: {  	_ =	shalt  }
0x3e: {  	_ =	shalt  }
0x3f: {  	_ =	shalt  }
0x40: {  	_ =	shalt  }
0x41: {  	_ =	shalt  }
0x42: {  	_ =	shalt  }
0x43: {  	_ =	shalt  }
0x44: {  	_ =	shalt  }
0x45: {  	_ =	shalt  }
0x46: {  	_ =	shalt  }
0x47: {  	_ =	shalt  }
0x48: {  	_ =	shalt  }
0x49: {  	_ =	shalt  }
0x4a: {  	_ =	shalt  }
0x4b: {  	_ =	shalt  }
0x4c: {  	_ =	shalt  }
0x4d: {  	_ =	shalt  }
0x4e: {  	_ =	shalt  }
0x4f: {  	_ =	shalt  }
0x50: {  	_ =	shalt  }
0x51: {  	_ =	shalt  }
0x52: {  	_ =	shalt  }
0x53: {  	_ =	shalt  }
0x54: {  	_ =	shalt  }
0x55: {  	_ =	shalt  }
0x56: {  	_ =	shalt  }
0x57: {  	_ =	shalt  }
0x58: {  	_ =	shalt  }
0x59: {  	_ =	shalt  }
0x5a: {  	_ =	shalt  }
0x5b: {  	_ =	shalt  }
0x5c: {  	_ =	shalt  }
0x5d: {  	_ =	shalt  }
0x5e: {  	_ =	shalt  }
0x5f: {  	_ =	shalt  }
0x60: {  	_ =	shalt  }
0x61: {  	_ =	shalt  }
0x62: {  	_ =	shalt  }
0x63: {  	_ =	shalt  }
0x64: {  	_ =	shalt  }
0x65: {  	_ =	shalt  }
0x66: {  	_ =	shalt  }
0x67: {  	_ =	shalt  }
0x68: {  	_ =	shalt  }
0x69: {  	_ =	shalt  }
0x6a: {  	_ =	shalt  }
0x6b: {  	_ =	shalt  }
0x6c: {  	_ =	shalt  }
0x6d: {  	_ =	shalt  }
0x6e: {  	_ =	shalt  }
0x6f: {  	_ =	shalt  }
0x70: {  	_ =	shalt  }
0x71: {  	_ =	shalt  }
0x72: {  	_ =	shalt  }
0x73: {  	_ =	shalt  }
0x74: {  	_ =	shalt  }
0x75: {  	_ =	shalt  }
0x76: {  	_ =	shalt  }
0x77: {  	_ =	shalt  }
0x78: {  	_ =	shalt  }
0x79: {  	_ =	shalt  }
0x7a: {  	_ =	shalt  }
0x7b: {  	_ =	shalt  }
0x7c: {  	_ =	shalt  }
0x7d: {  	_ =	shalt  }
0x7e: {  	_ =	shalt  }
0x7f: {  	_ =	shalt  }
0x80: {  	_ =	shalt  }
0x81: {  	_ =	shalt  }
0x82: {  	_ =	shalt  }
0x83: {  	_ =	shalt  }
0x84: {  	_ =	shalt  }
0x85: {  	_ =	shalt  }
0x86: {  	_ =	shalt  }
0x87: {  	_ =	shalt  }
.Lfunc_end0:
.L_simem_size_0:
called_computation.1_lowered:
.L_overlay_start_0:
0x88: {  	s2 =	sld [smem:$0x3FD9]  }
0x89: {  	s3 =	sld [smem:$0x3FFE];
	_ =	sdelay $0x1  }
0x8a: {  	s1 =	srdreg.scid  }
0x8b: {  	s0 =	sand.u32 $0x1, s1  }
0x8c: {  	s16 =	sshll.u32 s0, $0xA;
	s2 =	sadd.s32 s3, s2  }
0x8d: {  	s2 =	sadd.s32 s2, s16  }
0x8e: {  	[smem:$0x3FB8] =	sst s2  }
0x8f: {  	_ = 	snop  }
0x90: {  	(tm) =	ssettm $0x1  }
0x91: {  	s17 =	sld [smem:$0x3FFB];
	_ =	sdelay $0x3  }
0x92: {  	_ =	strace s17  }
0x93: {  	s2 =	sld [smem:$0x3FFC];
	_ =	sdelay $0x3  }
0x94: {  	_ =	strace s2  }
0x95: {  	s2 =	sld [smem:$0x3FFD];
	_ =	sdelay $0x3  }
0x96: {  	_ =	strace s2  }
0x97: {  	_ =	strace $0x8FFFFFFF  }
0x98: {  	s18 =	sld [smem:$0x3FDB];
	_ =	sdelay $0x1  }
0x99: {  	s19 =	simm.s32 $_scs_section_size  }
0x9a: {  	s4 =	simm.s32 $_size__tile_overlayer_lowered;
	s5 =	simm.s32 $_tile_overlayer_lowered  }
0x9b: {  	s22 =	simm.s32 $0x1BFF;
	s21 =	sshll.u32 s5, $0x1;
	s2 =	sadd.s32 s19, s18  }
0x9c: {  	s6 =	simm.s32 $0x0;
	s20 =	sshll.u32 s4, $0x1;
	s4 =	sadd.s32 s21, s2  }
0x9d: {  	[timem:s6], [sflag:s22] =	dma.local [hbm:s4], s20  }
0x9e: {  	_ =	swait.ge [sflag:s22], s20  }
0x9f: {  	s3 =	ssub.s32 $0x0, s20;
	[sflag:s22] =	ssyncset.done $0x0  }
0xa0: {  	[sflag:s22] =	ssyncadd.s32 s3;
	_ =	sdelay $0x1  }
0xa1: {  	s23 =	simm.s32 $0x1B8B  }
0xa2: {  	_ =	swait.ge [sflag:s23], $0x1  }
0xa3: {  	[sflag:s23] =	ssyncset.done $0x0  }
0xa4: {  	s25 =	simm.s32 $0x1B8E;
	s24 =	sld [smem:$0x3FFE];
	[sflag:s23] =	ssyncadd.s32 $0xFFFFFFFF  }
0xa5: {  	s26 =	simm.s32 $execute0_lowered;
	[smem:$0x3FD2] =	sst s25  }
0xa6: {  	s4 =	sshll.u32 s26, $0x1;
	_ =	strace $0x80000049;
	[dreg:$0x1] =	wrdreg $0xFFFFFFFF  }
0xa7: {  	s28 =	simm.s32 $_size_execute0_lowered;
	s2 =	sadd.s32 s2, s4;
	[dreg:$0x0] =	wrdreg $0x0  }
0xa8: {  	s4 =	sshll.u32 s28, $0x1;
	[dreg:$0x2] =	wrdreg s2  }
0xa9: {  	[dreg:$0x3] =	wrdreg s4  }
0xaa: {  	[dreg:$0x4] =	wrdreg $0xC0  }
0xab: {  	_ =	task [dreg:s6], $0x5FFFF  }
0xac: {  	[dreg:$0x1] =	wrdreg $0xFFFFFFFF  }
0xad: {  	[dreg:$0x0] =	wrdreg $0x60  }
0xae: {  	[dreg:$0x2] =	wrdreg s24  }
0xaf: {  	[dreg:$0x3] =	wrdreg $0x41000  }
0xb0: {  	[dreg:$0x4] =	wrdreg $0x9  }
0xb1: {  	_ =	task.clear_ibuf [dreg:s6], $0x5FFFF;
	_ =	strace $0x90000049  }
0xb2: {  	s29 =	simm.s32 $0x9;
	_ =	strace $0x8000004B  }
0xb3: {  	_ =	swait.ge [sflag:s29], $0x1  }
0xb4: {  	[sflag:s29] =	ssyncadd.s32 $0xFFFFFFFF  }
0xb5: {  	_ =	strace $0x9000004B  }
0xb6: {  	_ =	sfence  }
0xb7: {  	s30 =	sld [smem:$0x0];
	_ =	sdelay $0x2  }
0xb8: {  	s31 =	sshll.u32 s1, $0xD;
	s1 =	sshrl.u32 s1, $0x2  }
0xb9: {  	s3 =	sand.u32 $0x4000, s31;
	s1 =	sadd.s32 s1, s30  }
0xba: {  	s0 =	sor.u32 s3, s0;
	s1 =	sshll.u32 s1, $0x11  }
0xbb: {  	s0 =	sor.u32 s1, s0  }
0xbc: {  	s0 =	sadd.s32 $0x8F2B, s0  }
0xbd: {  	[sflag:s0] =	ssyncadd.remote.s32 $0x1  }
0xbe: {  	_ =	sfence.sel $0xFFFF  }
0xbf: {  	[dreg:$0x0] =	wrdreg $0xFFFFFFFF;
	(pc) =	sbr.abs _section_cstart, $3  }
0xc0: {  	[dreg:$0x1] =	wrdreg $0xFFFFFFFF  }
0xc1: {  	_ =	task.clear_ibuf [dreg:s6], $0x2FFFF;
	_ =	strace $0x9FFFFFFF  }
0xc2: {  	(tm) =	ssettm $0x7FFFFFFF  }
0xc3: {  	_ =	shalt  }
tec
execute0_lowered:
.L_overlay_start_1:
0x0: {  	(tag) =	ssettag $0x1  }
0x1: {  	s6 =	rddreg [dreg:$0x0]  }
0x2: {  	s0 =	srdreg.scid;
	s2 =	rddreg [dreg:$0x1]  }
0x3: {  	s1 =	stileid.u32;
	s3 =	simm.s32 $0x0;
	s18 =	simm.s32 $0x100  }
0x4: {  	s19 =	simm.s32 $0x2;
	s20 =	simm.s32 $0x80;
	s9 =	smul.u32 $0x14000, s1  }
0x5: {  	s21 =	simm.s32 $0x1;
	s22 =	simm.s32 $0x0;
	s10 =	smul.u32 $0x50000, s1  }
0x6: {  	s5 =	sand.u32 $0x1, s0;
	s0 =	rddreg [dreg:$0x2];
	s17 =	smul.u32 $0x4F0, s1  }
0x7: {  	[smem:$0x7FF] =	sst s3;
	s4 =	sadd.s32 $0x21200, s6;
	s7 =	smul.u32 $0x4F00, s5  }
0x8: {  	s8 =	smul.u32 $0x140000, s5;
	_ =	strace $0x8000004A;
	s29 =	ssub.s32 $0x2, s5  }
0x9: {  	s30 =	sshrl.u32 s10, $0x2;
	s31 =	sshrl.u32 s29, $0x1;
	s14 =	sadd.s32 s7, s6  }
0xa: {  	s28 =	sadd.s32 s9, s8;
	s5 =	sadd.s32 s30, s2;
	s16 =	ssub.s32 s29, s31  }
0xb: {  	s7 =	sshrl.u32 s28, $0x3;
	s8 =	sadd.s32 $0xC000, s5;
	s9 =	sadd.s32 $0x10000, s5  }
0xc: {  	s17 =	sadd.s32 s17, s14;
	s15 =	sadd.s32 s7, s6;
	s6 =	sadd.s32 $0x4000, s5  }
0xd: {  	s7 =	sadd.s32 $0x8000, s5;
	s10 =	sadd.s32 $0x71200, s15;
	s11 =	sadd.s32 $0x71A00, s15  }
0xe: {  	s12 =	sadd.s32 $0x72200, s15;
	s13 =	sadd.s32 $0x72A00, s15;
	s14 =	sadd.s32 $0x73200, s15  }
0xf: {  	v0 =	vimm.f32 $0.0e+00;
	s15 =	smax.u32 s16, $0x1;
	s16 =	sadd.s32 $0x3400, s17;
	s17 =	sadd.s32 $0x17400, s17  }
.LBB2_1:
0x10: {  	s23 =	simm.s32 $0x0;
	s24 =	simm.s32 $0x200  }
.LBB2_2:
0x11: {  	p0 =	sne.s32 s24, $0xFE00;
	[tilespmem:s23+$0x170] =	vst v0  }
0x12: {  	[tilespmem:s23+$0x100] =	vst v0  }
0x13: {  	[tilespmem:s23+$0x110] =	vst v0  }
.Ltmp0:
0x14: {  	[tilespmem:s23+$0x120] =	vst v0;
	(pc) =	sbr.rel @p0 .LBB2_2-.Ltmp0, $4  }
0x15: {  	[tilespmem:s23+$0x130] =	vst v0  }
0x16: {  	[tilespmem:s23+$0x140] =	vst v0  }
0x17: {  	[tilespmem:s23+$0x150] =	vst v0  }
0x18: {  	[tilespmem:s23+$0x160] =	vst v0;
	s23 =	sshra.s32 s24, $0x2;
	s24 =	sadd.s32 $0x200, s24  }
0x19: {  	[tilespmem:s23+$0x170] =	vst v0  }
0x1a: {  	[tilespmem:s23+$0x100] =	vst v0  }
0x1b: {  	[tilespmem:s23+$0x110] =	vst v0  }
0x1c: {  	[tilespmem:s23+$0x120] =	vst v0  }
0x1d: {  	[tilespmem:s23+$0x130] =	vst v0  }
0x1e: {  	[tilespmem:s23+$0x140] =	vst v0  }
0x1f: {  	[tilespmem:s23+$0x150] =	vst v0  }
0x20: {  	[tilespmem:s23+$0x160] =	vst v0  }
0x21: {  	[spmem:s5] =	stream.linear.scatter [tilespmem:s18], [sflag:$0x2], $0x4000, $0x38;
	[tilespmem:$0x18100] =	vst v63  }
0x22: {  	_ =	swait.ge [sflag:s19], $0x4000  }
0x23: {  	[sflag:s19] =	ssyncset.done $0x0  }
0x24: {  	[sflag:s19] =	ssyncadd.s32 $0xFFFFC000  }
0x25: {  	[spmem:s6] =	stream.linear.scatter [tilespmem:s18], [sflag:$0x2], $0x4000, $0x38;
	[tilespmem:$0x18100] =	vst v63  }
0x26: {  	_ =	swait.ge [sflag:s19], $0x4000  }
0x27: {  	[sflag:s19] =	ssyncset.done $0x0  }
0x28: {  	[sflag:s19] =	ssyncadd.s32 $0xFFFFC000  }
0x29: {  	[spmem:s7] =	stream.linear.scatter [tilespmem:s18], [sflag:$0x2], $0x4000, $0x38;
	[tilespmem:$0x18100] =	vst v63  }
0x2a: {  	_ =	swait.ge [sflag:s19], $0x4000  }
0x2b: {  	[sflag:s19] =	ssyncset.done $0x0  }
0x2c: {  	[sflag:s19] =	ssyncadd.s32 $0xFFFFC000  }
0x2d: {  	[spmem:s8] =	stream.linear.scatter [tilespmem:s18], [sflag:$0x2], $0x4000, $0x38;
	[tilespmem:$0x18100] =	vst v63  }
0x2e: {  	_ =	swait.ge [sflag:s19], $0x4000  }
0x2f: {  	[sflag:s19] =	ssyncset.done $0x0  }
0x30: {  	[sflag:s19] =	ssyncadd.s32 $0xFFFFC000  }
0x31: {  	[spmem:s9] =	stream.linear.scatter [tilespmem:s18], [sflag:$0x2], $0x4000, $0x38;
	[tilespmem:$0x18100] =	vst v63  }
0x32: {  	_ =	swait.ge [sflag:s19], $0x4000  }
0x33: {  	[sflag:s19] =	ssyncset.done $0x0  }
0x34: {  	[sflag:s19] =	ssyncadd.s32 $0xFFFFC000  }
0x35: {  	s30 =	sadd.s32 $0x0, s17;
	[bflag:$0x0] =	sbarrier.arrive $0xFFFF  }
0x36: {  	[tilespmem:s3], [sflag:$0x2] =	stream.linear.gather [hbm4b:s30+s3], $0x80, $0x38;
	[tilespmem:$0x18100] =	vst v63  }
0x37: {  	_ =	swait.ge [sflag:s19], $0x80  }
0x38: {  	[sflag:s19] =	ssyncset.done $0x0  }
0x39: {  	s31 =	sadd.s32 $0x0, s16;
	[sflag:s19] =	ssyncadd.s32 $0xFFFFFF80  }
0x3a: {  	[tilespmem:s20], [sflag:$0x2] =	stream.linear.gather [hbm4b:s31+s3], $0x80, $0x38;
	[tilespmem:$0x18100] =	vst v63  }
0x3b: {  	_ =	swait.ge [sflag:s19], $0x80  }
0x3c: {  	[sflag:s19] =	ssyncset.done $0x0  }
0x3d: {  	[sflag:s19] =	ssyncadd.s32 $0xFFFFFF80  }
0x3e: {  	[tilespmem:s18], [sflag:$0x1] =	stream.indirect.gather [hbm4b:s4+s20], $0x80, s3, s20, $0xb8;
	[tilespmem:$0x18100] =	vst v63  }
0x3f: {  	_ =	swait.ge [sflag:s21], $0x4000  }
0x40: {  	[sflag:s21] =	ssyncset.done $0x0  }
0x41: {  	[sflag:s21] =	ssyncadd.s32 $0xFFFFC000  }
0x42: {  	[spmem:s2] =	stream.indirect.scatter.add.f32 [tilespmem:s18], [sflag:$0x2], $0x80, s20, s20, $0xb8;
	[tilespmem:$0x18100] =	vst v63  }
0x43: {  	_ =	swait.ge [sflag:s19], $0x4000  }
0x44: {  	s23 =	simm.s32 $0x10;
	s24 =	simm.s32 $0x20;
	[sflag:s19] =	ssyncset.done $0x0  }
.LBB2_4:
0x45: {  	s25 =	sadd.s32 s23, s17  }
0x46: {  	[sflag:s19] =	ssyncadd.s32 $0xFFFFC000;
	s26 =	smov.u32 s24;
	s28 =	sadd.s32 $0x10, s24  }
0x47: {  	[tilespmem:s3], [sflag:$0x2] =	stream.linear.gather [hbm4b:s25+s3], $0x80, $0x38;
	[tilespmem:$0x18100] =	vst v63  }
0x48: {  	p0 =	sne.s32 s24, $0x4E0;
	_ =	swait.ge [sflag:s19], $0x80  }
0x49: {  	[sflag:s19] =	ssyncset.done $0x0  }
0x4a: {  	s24 =	sadd.s32 s23, s16;
	s23 =	smov.u32 s26;
	[sflag:s19] =	ssyncadd.s32 $0xFFFFFF80  }
0x4b: {  	[tilespmem:s20], [sflag:$0x2] =	stream.linear.gather [hbm4b:s24+s3], $0x80, $0x38;
	[tilespmem:$0x18100] =	vst v63  }
0x4c: {  	_ =	swait.ge [sflag:s19], $0x80  }
0x4d: {  	[sflag:s19] =	ssyncset.done $0x0  }
0x4e: {  	[sflag:s19] =	ssyncadd.s32 $0xFFFFFF80  }
0x4f: {  	[tilespmem:s18], [sflag:$0x1] =	stream.indirect.gather [hbm4b:s4+s20], $0x80, s3, s20, $0xb8;
	[tilespmem:$0x18100] =	vst v63  }
0x50: {  	_ =	swait.ge [sflag:s21], $0x4000  }
.Ltmp1:
0x51: {  	[sflag:s21] =	ssyncset.done $0x0;
	(pc) =	sbr.rel @p0 .LBB2_4-.Ltmp1, $4  }
0x52: {  	[sflag:s21] =	ssyncadd.s32 $0xFFFFC000  }
0x53: {  	[spmem:s2] =	stream.indirect.scatter.add.f32 [tilespmem:s18], [sflag:$0x2], $0x80, s20, s20, $0xb8;
	[tilespmem:$0x18100] =	vst v63  }
0x54: {  	_ =	swait.ge [sflag:s19], $0x4000  }
0x55: {  	s24 =	smov.u32 s28;
	[sflag:s19] =	ssyncset.done $0x0  }
0x56: {  	s24 =	sadd.s32 s23, s17;
	[sflag:s19] =	ssyncadd.s32 $0xFFFFC000  }
0x57: {  	[tilespmem:s3], [sflag:$0x2] =	stream.linear.gather [hbm4b:s24+s3], $0x80, $0x38;
	[tilespmem:$0x18100] =	vst v63  }
0x58: {  	_ =	swait.ge [sflag:s19], $0x80  }
0x59: {  	[sflag:s19] =	ssyncset.done $0x0  }
0x5a: {  	s24 =	sadd.s32 s23, s16;
	[sflag:s19] =	ssyncadd.s32 $0xFFFFFF80  }
0x5b: {  	[tilespmem:s20], [sflag:$0x2] =	stream.linear.gather [hbm4b:s24+s3], $0x80, $0x38;
	[tilespmem:$0x18100] =	vst v63  }
0x5c: {  	_ =	swait.ge [sflag:s19], $0x80  }
0x5d: {  	[sflag:s19] =	ssyncset.done $0x0  }
0x5e: {  	[sflag:s19] =	ssyncadd.s32 $0xFFFFFF80  }
0x5f: {  	[tilespmem:s18], [sflag:$0x1] =	stream.indirect.gather [hbm4b:s4+s20], $0x80, s3, s20, $0xb8;
	[tilespmem:$0x18100] =	vst v63  }
0x60: {  	_ =	swait.ge [sflag:s21], $0x4000  }
0x61: {  	[sflag:s21] =	ssyncset.done $0x0  }
0x62: {  	[sflag:s21] =	ssyncadd.s32 $0xFFFFC000  }
0x63: {  	[spmem:s2] =	stream.indirect.scatter.add.f32 [tilespmem:s18], [sflag:$0x2], $0x80, s20, s20, $0xb8;
	[tilespmem:$0x18100] =	vst v63  }
0x64: {  	_ =	swait.ge [sflag:s19], $0x4000  }
0x65: {  	[sflag:s19] =	ssyncset.done $0x0  }
0x66: {  	s25 =	sshll.u32 s1, $0x6;
	[sflag:s19] =	ssyncadd.s32 $0xFFFFC000  }
0x67: {  	s26 =	sshrl.u32 s5, $0x3;
	s23 =	sor.u32 $0x1C02, s25;
	[bflag:$0x0] =	sbarrier.arrive $0xFFFF  }
0x68: {  	[hbm:s10], [sflag:s23] =	dma.local [spmem:s26], $0x800  }
0x69: {  	_ =	swait.ge [sflag:s19], $0x800  }
0x6a: {  	[sflag:s19] =	ssyncset.done $0x0  }
0x6b: {  	s28 =	sshrl.u32 s6, $0x3;
	[sflag:s19] =	ssyncadd.s32 $0xFFFFF800  }
0x6c: {  	[hbm:s11], [sflag:s23] =	dma.local [spmem:s28], $0x800  }
0x6d: {  	_ =	swait.ge [sflag:s19], $0x800  }
0x6e: {  	[sflag:s19] =	ssyncset.done $0x0  }
0x6f: {  	s29 =	sshrl.u32 s7, $0x3;
	[sflag:s19] =	ssyncadd.s32 $0xFFFFF800  }
0x70: {  	[hbm:s12], [sflag:s23] =	dma.local [spmem:s29], $0x800  }
0x71: {  	_ =	swait.ge [sflag:s19], $0x800  }
0x72: {  	[sflag:s19] =	ssyncset.done $0x0  }
0x73: {  	s30 =	sshrl.u32 s8, $0x3;
	[sflag:s19] =	ssyncadd.s32 $0xFFFFF800  }
0x74: {  	[hbm:s13], [sflag:s23] =	dma.local [spmem:s30], $0x800  }
0x75: {  	s22 =	sadd.s32 $0x1, s22;
	_ =	swait.ge [sflag:s19], $0x800  }
0x76: {  	p0 =	sne.s32 s22, s15;
	[sflag:s19] =	ssyncset.done $0x0  }
.Ltmp2:
0x77: {  	s31 =	sshrl.u32 s9, $0x3;
	[sflag:s19] =	ssyncadd.s32 $0xFFFFF800;
	(pc) =	sbr.rel @p0 .LBB2_1-.Ltmp2, $4  }
0x78: {  	[hbm:s14], [sflag:s23] =	dma.local [spmem:s31], $0x800  }
0x79: {  	_ =	swait.ge [sflag:s19], $0x800  }
0x7a: {  	[sflag:s19] =	ssyncset.done $0x0  }
0x7b: {  	[sflag:s19] =	ssyncadd.s32 $0xFFFFF800  }
0x7c: {  	_ =	sfence.sel $0x180000  }
0x7d: {  	[bflag:$0x0] =	sbarrier.arrive $0xFFFF  }
0x7e: {  	p0 =	sne.s32 s1, $0x0;
	_ =	strace $0x9000004A  }
0x7f: {  	s0 =	sadd.s32 @!p0 $0x100000, s0;
	[bflag:$0x2] =	sbarrier.arrive $0xFFFF  }
0x80: {  	[sflag:s0] =	ssyncadd.tile.s32 @!p0 $0x1;
	_ =	shalt  }
.Lfunc_end2:
_tile_overlayer_lowered:
.L_overlay_start_2:
0x81: {  	(tag) =	ssettag $0x2  }
0x82: {  	s0 =	rddreg [dreg:$0x0];
	s2 =	stileid.u32  }
0x83: {  	s1 =	rddreg [dreg:$0x1];
	p0 =	sne.s32 s2, $0x0  }
0x84: {  	s3 =	rddreg [dreg:$0x2];
	[bflag:$0x3] =	sbarrier.arrive $0xFFFF;
	s2 =	simm.s32 @!p0 $0x1C02  }
0x85: {  	[timem:s3], [sflag:s2] =	dma.local @!p0 [hbm:s0], s1  }
0x86: {  	s0 =	simm.s32 @!p0 $0x2  }
0x87: {  	_ =	swait.ge @!p0 [sflag:s0], s1  }
0x88: {  	s1 =	ssub.s32 @!p0 $0x0, s1;
	[sflag:s0] =	ssyncset.done @!p0 $0x0  }
0x89: {  	[sflag:s0] =	ssyncadd.s32 @!p0 s1  }
0x8a: {  	[bflag:$0x3] =	sbarrier.arrive $0xFFFF  }
0x8b: {  	_ =	shalt  }

// kernel: kernel.15.cloned.1.call-start
scs
__scs_entry_jumppad:
0x0: {  	(pc) =	sbr.rel $0x88, $3  }
0x1: {  	(tag) =	ssettag $0x0;
	lr =	simm.s32 $0x1  }
0x2: {  	[smem:$0x3F91] =	sst lr;
	_ =	strace $0xD0000000  }
0x3: {  	_ = 	snop  }
0x4: {  	_ = 	snop  }
0x5: {  	_ = 	snop  }
0x6: {  	_ = 	snop  }
0x7: {  	_ = 	snop  }
__scs_overlays_trampoline_lowered:
0x8: {  	[smem:$0x3FA0] =	sst s0  }
0x9: {  	[smem:$0x3FA1] =	sst s1  }
0xa: {  	[smem:$0x3FA2] =	sst s2  }
0xb: {  	[smem:$0x3FA3] =	sst s3  }
0xc: {  	[smem:$0x3FA4] =	sst s4  }
0xd: {  	[smem:$0x3FA5] =	sst s5  }
0xe: {  	[smem:$0x3FA6] =	sst s6  }
0xf: {  	[smem:$0x3FA7] =	sst s7  }
0x10: {  	[smem:$0x3FA8] =	sst s8  }
0x11: {  	[smem:$0x3FA9] =	sst s9;
	s0 =	simm.s32 @!p0 $0x0  }
0x12: {  	s1 =	sld [smem:$0x3F8F];
	s0 =	simm.s32 @p0 $0x1  }
0x13: {  	[smem:$0x3FAA] =	sst s0;
	s0 =	simm.s32 @!p1 $0x0  }
0x14: {  	s2 =	sld [smem:$0x3F8E];
	s0 =	simm.s32 @p1 $0x1  }
0x15: {  	[smem:$0x3FAB] =	sst s0;
	s0 =	simm.s32 @!p2 $0x0  }
0x16: {  	s3 =	sld [smem:$0x3FDB];
	s0 =	simm.s32 @p2 $0x1  }
0x17: {  	s4 =	simm.s32 $0x1BF5;
	[smem:$0x3FAD] =	sst s0  }
0x18: {  	s0 =	sld [smem:$0x3F90];
	_ =	swait.ge [sflag:s4], $0x0  }
0x19: {  	s7 =	sld [smem:$0x3F91]  }
0x1a: {  	s8 =	sadd.s32 $0xFFFFE003, lr  }
0x1b: {  	s9 =	sadd.s32 $0xFFFFFEF7, lr;
	s5 =	simm.s32 $0xFFFFFFFF;
	p2 =	slt.u32 s8, $0xFFFFF086  }
0x1c: {  	p1 =	slt.u32 s9, $0xF7A;
	s5 =	simm.s32 @!p2 $0x0  }
0x1d: {  	s5 =	simm.s32 @p1 $0x1;
	p0 =	seq.s32 s7, s2  }
0x1e: {  	s7 =	smul.u32 @!p0 $0xF7A, s2;
	p2 =	seq.s32 @!p0 s5, $0x0  }
0x1f: {  	s9 =	smul.u32 $0xF7A, s1;
	s8 =	simm.s32 @!p0 $0x1BF5;
	p2 =	por !p2, p0  }
0x20: {  	[sflag:s8] =	ssyncset.s32 @!p0 $0xFFFFF086;
	s6 =	sadd.s32 @!p0 s3, s7;
	s7 =	simm.s32 @!p0 $0x108  }
0x21: {  	s3 =	sadd.s32 s3, s9;
	s6 =	sadd.s32 @!p0 $0x88, s6;
	s7 =	simm.s32 @p2 $0x1082  }
0x22: {  	[simem:s7], [sflag:s8] =	dma.local @!p0 [hbm:s6], $0xF7A  }
0x23: {  	s9 =	sor.u32 $0xD0000000, s2;
	s6 =	simm.s32 $0x108;
	_ =	swait.ge @!p0 [sflag:s8], $0x0  }
0x24: {  	s3 =	sadd.s32 $0x88, s3;
	s6 =	simm.s32 @!p1 $0x1082;
	[sflag:s4] =	ssyncset.s32 $0xFFFFF086  }
0x25: {  	[simem:s6], [sflag:s4] =	dma.local [hbm:s3], $0xF7A  }
0x26: {  	[smem:$0x3F91] =	sst s1;
	(tag) =	ssettag s2;
	_ =	strace s9  }
0x27: {  	s1 =	sld [smem:$0x3FA1]  }
0x28: {  	s2 =	sld [smem:$0x3FA2]  }
0x29: {  	s4 =	sld [smem:$0x3FA4]  }
0x2a: {  	p0 =	seq.s32 s5, $0x0;
	s5 =	sld [smem:$0x3FA5]  }
0x2b: {  	s6 =	sld [smem:$0x3FA6]  }
0x2c: {  	s7 =	sld [smem:$0x3FA7]  }
0x2d: {  	s3 =	simm.s32 $0x108;
	s8 =	sld [smem:$0x3FA8]  }
0x2e: {  	s3 =	simm.s32 @!p0 $0x1082;
	s9 =	sld [smem:$0x3FA9]  }
0x2f: {  	lr =	sadd.s32 s0, s3;
	s0 =	sld [smem:$0x3FA0]  }
0x30: {  	s3 =	sld [smem:$0x3FA3]  }
0x31: {  	[smem:$0x3FAC] =	sst s10  }
0x32: {  	s10 =	sld [smem:$0x3FAA];
	_ =	sdelay $0x3  }
0x33: {  	p0 =	seq.s32 s10, $0x1;
	s10 =	sld [smem:$0x3FAC];
	_ =	sdelay $0x3  }
0x34: {  	[smem:$0x3FAC] =	sst s10  }
0x35: {  	s10 =	sld [smem:$0x3FAB];
	_ =	sdelay $0x3  }
0x36: {  	p1 =	seq.s32 s10, $0x1;
	s10 =	sld [smem:$0x3FAC];
	_ =	sdelay $0x3  }
0x37: {  	[smem:$0x3FAC] =	sst s10  }
0x38: {  	s10 =	sld [smem:$0x3FAD]  }
0x39: {  	_ = 	snop;
	(pc) =	sbr.ind lr, $3  }
0x3a: {  	_ = 	snop  }
0x3b: {  	_ = 	snop  }
0x3c: {  	p2 =	seq.s32 s10, $0x1;
	s10 =	sld [smem:$0x3FAC]  }
0x3d: {  	_ =	shalt  }
0x3e: {  	_ =	shalt  }
0x3f: {  	_ =	shalt  }
0x40: {  	_ =	shalt  }
0x41: {  	_ =	shalt  }
0x42: {  	_ =	shalt  }
0x43: {  	_ =	shalt  }
0x44: {  	_ =	shalt  }
0x45: {  	_ =	shalt  }
0x46: {  	_ =	shalt  }
0x47: {  	_ =	shalt  }
0x48: {  	_ =	shalt  }
0x49: {  	_ =	shalt  }
0x4a: {  	_ =	shalt  }
0x4b: {  	_ =	shalt  }
0x4c: {  	_ =	shalt  }
0x4d: {  	_ =	shalt  }
0x4e: {  	_ =	shalt  }
0x4f: {  	_ =	shalt  }
0x50: {  	_ =	shalt  }
0x51: {  	_ =	shalt  }
0x52: {  	_ =	shalt  }
0x53: {  	_ =	shalt  }
0x54: {  	_ =	shalt  }
0x55: {  	_ =	shalt  }
0x56: {  	_ =	shalt  }
0x57: {  	_ =	shalt  }
0x58: {  	_ =	shalt  }
0x59: {  	_ =	shalt  }
0x5a: {  	_ =	shalt  }
0x5b: {  	_ =	shalt  }
0x5c: {  	_ =	shalt  }
0x5d: {  	_ =	shalt  }
0x5e: {  	_ =	shalt  }
0x5f: {  	_ =	shalt  }
0x60: {  	_ =	shalt  }
0x61: {  	_ =	shalt  }
0x62: {  	_ =	shalt  }
0x63: {  	_ =	shalt  }
0x64: {  	_ =	shalt  }
0x65: {  	_ =	shalt  }
0x66: {  	_ =	shalt  }
0x67: {  	_ =	shalt  }
0x68: {  	_ =	shalt  }
0x69: {  	_ =	shalt  }
0x6a: {  	_ =	shalt  }
0x6b: {  	_ =	shalt  }
0x6c: {  	_ =	shalt  }
0x6d: {  	_ =	shalt  }
0x6e: {  	_ =	shalt  }
0x6f: {  	_ =	shalt  }
0x70: {  	_ =	shalt  }
0x71: {  	_ =	shalt  }
0x72: {  	_ =	shalt  }
0x73: {  	_ =	shalt  }
0x74: {  	_ =	shalt  }
0x75: {  	_ =	shalt  }
0x76: {  	_ =	shalt  }
0x77: {  	_ =	shalt  }
0x78: {  	_ =	shalt  }
0x79: {  	_ =	shalt  }
0x7a: {  	_ =	shalt  }
0x7b: {  	_ =	shalt  }
0x7c: {  	_ =	shalt  }
0x7d: {  	_ =	shalt  }
0x7e: {  	_ =	shalt  }
0x7f: {  	_ =	shalt  }
0x80: {  	_ =	shalt  }
0x81: {  	_ =	shalt  }
0x82: {  	_ =	shalt  }
0x83: {  	_ =	shalt  }
0x84: {  	_ =	shalt  }
0x85: {  	_ =	shalt  }
0x86: {  	_ =	shalt  }
0x87: {  	_ =	shalt  }
.Lfunc_end0:
.L_simem_size_0:
called_computation.2_lowered:
.L_overlay_start_0:
0x88: {  	s2 =	sld [smem:$0x3FD9]  }
0x89: {  	s3 =	sld [smem:$0x3FFE];
	_ =	sdelay $0x1  }
0x8a: {  	s1 =	srdreg.scid  }
0x8b: {  	s0 =	sand.u32 $0x1, s1  }
0x8c: {  	s16 =	sshll.u32 s0, $0xA;
	s2 =	sadd.s32 s3, s2  }
0x8d: {  	s2 =	sadd.s32 s2, s16  }
0x8e: {  	[smem:$0x3FB8] =	sst s2  }
0x8f: {  	_ = 	snop  }
0x90: {  	(tm) =	ssettm $0x1  }
0x91: {  	s17 =	sld [smem:$0x3FFB];
	_ =	sdelay $0x3  }
0x92: {  	_ =	strace s17  }
0x93: {  	s2 =	sld [smem:$0x3FFC];
	_ =	sdelay $0x3  }
0x94: {  	_ =	strace s2  }
0x95: {  	s2 =	sld [smem:$0x3FFD];
	_ =	sdelay $0x3  }
0x96: {  	_ =	strace s2  }
0x97: {  	_ =	strace $0x8FFFFFFF  }
0x98: {  	s18 =	sld [smem:$0x3FDB];
	_ =	sdelay $0x1  }
0x99: {  	s19 =	simm.s32 $_scs_section_size  }
0x9a: {  	s4 =	simm.s32 $_size__tile_overlayer_lowered;
	s5 =	simm.s32 $_tile_overlayer_lowered  }
0x9b: {  	s22 =	simm.s32 $0x1BFF;
	s21 =	sshll.u32 s5, $0x1;
	s2 =	sadd.s32 s19, s18  }
0x9c: {  	s6 =	simm.s32 $0x0;
	s20 =	sshll.u32 s4, $0x1;
	s4 =	sadd.s32 s21, s2  }
0x9d: {  	[timem:s6], [sflag:s22] =	dma.local [hbm:s4], s20  }
0x9e: {  	_ =	swait.ge [sflag:s22], s20  }
0x9f: {  	s3 =	ssub.s32 $0x0, s20;
	[sflag:s22] =	ssyncset.done $0x0  }
0xa0: {  	[sflag:s22] =	ssyncadd.s32 s3;
	_ =	sdelay $0x1  }
0xa1: {  	s23 =	simm.s32 $0x1B8B  }
0xa2: {  	_ =	swait.ge [sflag:s23], $0x1  }
0xa3: {  	[sflag:s23] =	ssyncset.done $0x0  }
0xa4: {  	s25 =	simm.s32 $0x1B8E;
	s24 =	sld [smem:$0x3FFE];
	[sflag:s23] =	ssyncadd.s32 $0xFFFFFFFF  }
0xa5: {  	s26 =	simm.s32 $execute0_lowered;
	[smem:$0x3FD2] =	sst s25  }
0xa6: {  	s4 =	sshll.u32 s26, $0x1;
	_ =	strace $0x8000004C;
	[dreg:$0x1] =	wrdreg $0xFFFFFFFF  }
0xa7: {  	s28 =	simm.s32 $_size_execute0_lowered;
	s2 =	sadd.s32 s2, s4;
	[dreg:$0x0] =	wrdreg $0x0  }
0xa8: {  	s4 =	sshll.u32 s28, $0x1;
	[dreg:$0x2] =	wrdreg s2  }
0xa9: {  	[dreg:$0x3] =	wrdreg s4  }
0xaa: {  	[dreg:$0x4] =	wrdreg $0xC0  }
0xab: {  	_ =	task [dreg:s6], $0x5FFFF  }
0xac: {  	[dreg:$0x1] =	wrdreg $0xFFFFFFFF  }
0xad: {  	[dreg:$0x0] =	wrdreg $0x60  }
0xae: {  	[dreg:$0x2] =	wrdreg s24  }
0xaf: {  	[dreg:$0x3] =	wrdreg $0x41000  }
0xb0: {  	[dreg:$0x4] =	wrdreg $0x9  }
0xb1: {  	_ =	task.clear_ibuf [dreg:s6], $0x5FFFF;
	_ =	strace $0x9000004C  }
0xb2: {  	s29 =	simm.s32 $0x9;
	_ =	strace $0x8000004E  }
0xb3: {  	_ =	swait.ge [sflag:s29], $0x1  }
0xb4: {  	[sflag:s29] =	ssyncadd.s32 $0xFFFFFFFF  }
0xb5: {  	_ =	strace $0x9000004E  }
0xb6: {  	_ =	sfence  }
0xb7: {  	s30 =	sld [smem:$0x0];
	_ =	sdelay $0x2  }
0xb8: {  	s31 =	sshll.u32 s1, $0xD;
	s1 =	sshrl.u32 s1, $0x2  }
0xb9: {  	s3 =	sand.u32 $0x4000, s31;
	s1 =	sadd.s32 s1, s30  }
0xba: {  	s0 =	sor.u32 s3, s0;
	s1 =	sshll.u32 s1, $0x11  }
0xbb: {  	s0 =	sor.u32 s1, s0  }
0xbc: {  	s0 =	sadd.s32 $0x8F2B, s0  }
0xbd: {  	[sflag:s0] =	ssyncadd.remote.s32 $0x1  }
0xbe: {  	_ =	sfence.sel $0xFFFF  }
0xbf: {  	[dreg:$0x0] =	wrdreg $0xFFFFFFFF;
	(pc) =	sbr.abs _section_cstart, $3  }
0xc0: {  	[dreg:$0x1] =	wrdreg $0xFFFFFFFF  }
0xc1: {  	_ =	task.clear_ibuf [dreg:s6], $0x2FFFF;
	_ =	strace $0x9FFFFFFF  }
0xc2: {  	(tm) =	ssettm $0x7FFFFFFF  }
0xc3: {  	_ =	shalt  }
tec
execute0_lowered:
.L_overlay_start_1:
0x0: {  	(tag) =	ssettag $0x1  }
0x1: {  	s6 =	rddreg [dreg:$0x0]  }
0x2: {  	s0 =	srdreg.scid;
	s2 =	rddreg [dreg:$0x1]  }
0x3: {  	s1 =	stileid.u32;
	s3 =	simm.s32 $0x0;
	s18 =	simm.s32 $0x100  }
0x4: {  	s19 =	simm.s32 $0x2;
	s20 =	simm.s32 $0x80;
	s9 =	smul.u32 $0x14000, s1  }
0x5: {  	s21 =	simm.s32 $0x1;
	s22 =	simm.s32 $0x0;
	s10 =	smul.u32 $0x50000, s1  }
0x6: {  	s5 =	sand.u32 $0x1, s0;
	s0 =	rddreg [dreg:$0x2];
	s17 =	smul.u32 $0x4F0, s1  }
0x7: {  	[smem:$0x7FF] =	sst s3;
	s4 =	sadd.s32 $0x21200, s6;
	s7 =	smul.u32 $0x4F00, s5  }
0x8: {  	s8 =	smul.u32 $0x140000, s5;
	_ =	strace $0x8000004D;
	s29 =	ssub.s32 $0x2, s5  }
0x9: {  	s30 =	sshrl.u32 s10, $0x2;
	s31 =	sshrl.u32 s29, $0x1;
	s14 =	sadd.s32 s7, s6  }
0xa: {  	s28 =	sadd.s32 s9, s8;
	s5 =	sadd.s32 s30, s2;
	s16 =	ssub.s32 s29, s31  }
0xb: {  	s7 =	sshrl.u32 s28, $0x3;
	s8 =	sadd.s32 $0xC000, s5;
	s9 =	sadd.s32 $0x10000, s5  }
0xc: {  	s17 =	sadd.s32 s17, s14;
	s15 =	sadd.s32 s7, s6;
	s6 =	sadd.s32 $0x4000, s5  }
0xd: {  	s7 =	sadd.s32 $0x8000, s5;
	s10 =	sadd.s32 $0x49200, s15;
	s11 =	sadd.s32 $0x49A00, s15  }
0xe: {  	s12 =	sadd.s32 $0x4A200, s15;
	s13 =	sadd.s32 $0x4AA00, s15;
	s14 =	sadd.s32 $0x4B200, s15  }
0xf: {  	v0 =	vimm.f32 $0.0e+00;
	s15 =	smax.u32 s16, $0x1;
	s16 =	sadd.s32 $0x3400, s17;
	s17 =	sadd.s32 $0x17400, s17  }
.LBB2_1:
0x10: {  	s23 =	simm.s32 $0x0;
	s24 =	simm.s32 $0x200  }
.LBB2_2:
0x11: {  	p0 =	sne.s32 s24, $0xFE00;
	[tilespmem:s23+$0x170] =	vst v0  }
0x12: {  	[tilespmem:s23+$0x100] =	vst v0  }
0x13: {  	[tilespmem:s23+$0x110] =	vst v0  }
.Ltmp0:
0x14: {  	[tilespmem:s23+$0x120] =	vst v0;
	(pc) =	sbr.rel @p0 .LBB2_2-.Ltmp0, $4  }
0x15: {  	[tilespmem:s23+$0x130] =	vst v0  }
0x16: {  	[tilespmem:s23+$0x140] =	vst v0  }
0x17: {  	[tilespmem:s23+$0x150] =	vst v0  }
0x18: {  	[tilespmem:s23+$0x160] =	vst v0;
	s23 =	sshra.s32 s24, $0x2;
	s24 =	sadd.s32 $0x200, s24  }
0x19: {  	[tilespmem:s23+$0x170] =	vst v0  }
0x1a: {  	[tilespmem:s23+$0x100] =	vst v0  }
0x1b: {  	[tilespmem:s23+$0x110] =	vst v0  }
0x1c: {  	[tilespmem:s23+$0x120] =	vst v0  }
0x1d: {  	[tilespmem:s23+$0x130] =	vst v0  }
0x1e: {  	[tilespmem:s23+$0x140] =	vst v0  }
0x1f: {  	[tilespmem:s23+$0x150] =	vst v0  }
0x20: {  	[tilespmem:s23+$0x160] =	vst v0  }
0x21: {  	[spmem:s5] =	stream.linear.scatter [tilespmem:s18], [sflag:$0x2], $0x4000, $0x38;
	[tilespmem:$0x18100] =	vst v63  }
0x22: {  	_ =	swait.ge [sflag:s19], $0x4000  }
0x23: {  	[sflag:s19] =	ssyncset.done $0x0  }
0x24: {  	[sflag:s19] =	ssyncadd.s32 $0xFFFFC000  }
0x25: {  	[spmem:s6] =	stream.linear.scatter [tilespmem:s18], [sflag:$0x2], $0x4000, $0x38;
	[tilespmem:$0x18100] =	vst v63  }
0x26: {  	_ =	swait.ge [sflag:s19], $0x4000  }
0x27: {  	[sflag:s19] =	ssyncset.done $0x0  }
0x28: {  	[sflag:s19] =	ssyncadd.s32 $0xFFFFC000  }
0x29: {  	[spmem:s7] =	stream.linear.scatter [tilespmem:s18], [sflag:$0x2], $0x4000, $0x38;
	[tilespmem:$0x18100] =	vst v63  }
0x2a: {  	_ =	swait.ge [sflag:s19], $0x4000  }
0x2b: {  	[sflag:s19] =	ssyncset.done $0x0  }
0x2c: {  	[sflag:s19] =	ssyncadd.s32 $0xFFFFC000  }
0x2d: {  	[spmem:s8] =	stream.linear.scatter [tilespmem:s18], [sflag:$0x2], $0x4000, $0x38;
	[tilespmem:$0x18100] =	vst v63  }
0x2e: {  	_ =	swait.ge [sflag:s19], $0x4000  }
0x2f: {  	[sflag:s19] =	ssyncset.done $0x0  }
0x30: {  	[sflag:s19] =	ssyncadd.s32 $0xFFFFC000  }
0x31: {  	[spmem:s9] =	stream.linear.scatter [tilespmem:s18], [sflag:$0x2], $0x4000, $0x38;
	[tilespmem:$0x18100] =	vst v63  }
0x32: {  	_ =	swait.ge [sflag:s19], $0x4000  }
0x33: {  	[sflag:s19] =	ssyncset.done $0x0  }
0x34: {  	[sflag:s19] =	ssyncadd.s32 $0xFFFFC000  }
0x35: {  	s30 =	sadd.s32 $0x0, s17;
	[bflag:$0x0] =	sbarrier.arrive $0xFFFF  }
0x36: {  	[tilespmem:s3], [sflag:$0x2] =	stream.linear.gather [hbm4b:s30+s3], $0x80, $0x38;
	[tilespmem:$0x18100] =	vst v63  }
0x37: {  	_ =	swait.ge [sflag:s19], $0x80  }
0x38: {  	[sflag:s19] =	ssyncset.done $0x0  }
0x39: {  	s31 =	sadd.s32 $0x0, s16;
	[sflag:s19] =	ssyncadd.s32 $0xFFFFFF80  }
0x3a: {  	[tilespmem:s20], [sflag:$0x2] =	stream.linear.gather [hbm4b:s31+s3], $0x80, $0x38;
	[tilespmem:$0x18100] =	vst v63  }
0x3b: {  	_ =	swait.ge [sflag:s19], $0x80  }
0x3c: {  	[sflag:s19] =	ssyncset.done $0x0  }
0x3d: {  	[sflag:s19] =	ssyncadd.s32 $0xFFFFFF80  }
0x3e: {  	[tilespmem:s18], [sflag:$0x1] =	stream.indirect.gather [hbm4b:s4+s20], $0x80, s3, s20, $0xb8;
	[tilespmem:$0x18100] =	vst v63  }
0x3f: {  	_ =	swait.ge [sflag:s21], $0x4000  }
0x40: {  	[sflag:s21] =	ssyncset.done $0x0  }
0x41: {  	[sflag:s21] =	ssyncadd.s32 $0xFFFFC000  }
0x42: {  	[spmem:s2] =	stream.indirect.scatter.add.f32 [tilespmem:s18], [sflag:$0x2], $0x80, s20, s20, $0xb8;
	[tilespmem:$0x18100] =	vst v63  }
0x43: {  	_ =	swait.ge [sflag:s19], $0x4000  }
0x44: {  	s23 =	simm.s32 $0x10;
	s24 =	simm.s32 $0x20;
	[sflag:s19] =	ssyncset.done $0x0  }
.LBB2_4:
0x45: {  	s25 =	sadd.s32 s23, s17  }
0x46: {  	[sflag:s19] =	ssyncadd.s32 $0xFFFFC000;
	s26 =	smov.u32 s24;
	s28 =	sadd.s32 $0x10, s24  }
0x47: {  	[tilespmem:s3], [sflag:$0x2] =	stream.linear.gather [hbm4b:s25+s3], $0x80, $0x38;
	[tilespmem:$0x18100] =	vst v63  }
0x48: {  	p0 =	sne.s32 s24, $0x4E0;
	_ =	swait.ge [sflag:s19], $0x80  }
0x49: {  	[sflag:s19] =	ssyncset.done $0x0  }
0x4a: {  	s24 =	sadd.s32 s23, s16;
	s23 =	smov.u32 s26;
	[sflag:s19] =	ssyncadd.s32 $0xFFFFFF80  }
0x4b: {  	[tilespmem:s20], [sflag:$0x2] =	stream.linear.gather [hbm4b:s24+s3], $0x80, $0x38;
	[tilespmem:$0x18100] =	vst v63  }
0x4c: {  	_ =	swait.ge [sflag:s19], $0x80  }
0x4d: {  	[sflag:s19] =	ssyncset.done $0x0  }
0x4e: {  	[sflag:s19] =	ssyncadd.s32 $0xFFFFFF80  }
0x4f: {  	[tilespmem:s18], [sflag:$0x1] =	stream.indirect.gather [hbm4b:s4+s20], $0x80, s3, s20, $0xb8;
	[tilespmem:$0x18100] =	vst v63  }
0x50: {  	_ =	swait.ge [sflag:s21], $0x4000  }
.Ltmp1:
0x51: {  	[sflag:s21] =	ssyncset.done $0x0;
	(pc) =	sbr.rel @p0 .LBB2_4-.Ltmp1, $4  }
0x52: {  	[sflag:s21] =	ssyncadd.s32 $0xFFFFC000  }
0x53: {  	[spmem:s2] =	stream.indirect.scatter.add.f32 [tilespmem:s18], [sflag:$0x2], $0x80, s20, s20, $0xb8;
	[tilespmem:$0x18100] =	vst v63  }
0x54: {  	_ =	swait.ge [sflag:s19], $0x4000  }
0x55: {  	s24 =	smov.u32 s28;
	[sflag:s19] =	ssyncset.done $0x0  }
0x56: {  	s24 =	sadd.s32 s23, s17;
	[sflag:s19] =	ssyncadd.s32 $0xFFFFC000  }
0x57: {  	[tilespmem:s3], [sflag:$0x2] =	stream.linear.gather [hbm4b:s24+s3], $0x80, $0x38;
	[tilespmem:$0x18100] =	vst v63  }
0x58: {  	_ =	swait.ge [sflag:s19], $0x80  }
0x59: {  	[sflag:s19] =	ssyncset.done $0x0  }
0x5a: {  	s24 =	sadd.s32 s23, s16;
	[sflag:s19] =	ssyncadd.s32 $0xFFFFFF80  }
0x5b: {  	[tilespmem:s20], [sflag:$0x2] =	stream.linear.gather [hbm4b:s24+s3], $0x80, $0x38;
	[tilespmem:$0x18100] =	vst v63  }
0x5c: {  	_ =	swait.ge [sflag:s19], $0x80  }
0x5d: {  	[sflag:s19] =	ssyncset.done $0x0  }
0x5e: {  	[sflag:s19] =	ssyncadd.s32 $0xFFFFFF80  }
0x5f: {  	[tilespmem:s18], [sflag:$0x1] =	stream.indirect.gather [hbm4b:s4+s20], $0x80, s3, s20, $0xb8;
	[tilespmem:$0x18100] =	vst v63  }
0x60: {  	_ =	swait.ge [sflag:s21], $0x4000  }
0x61: {  	[sflag:s21] =	ssyncset.done $0x0  }
0x62: {  	[sflag:s21] =	ssyncadd.s32 $0xFFFFC000  }
0x63: {  	[spmem:s2] =	stream.indirect.scatter.add.f32 [tilespmem:s18], [sflag:$0x2], $0x80, s20, s20, $0xb8;
	[tilespmem:$0x18100] =	vst v63  }
0x64: {  	_ =	swait.ge [sflag:s19], $0x4000  }
0x65: {  	[sflag:s19] =	ssyncset.done $0x0  }
0x66: {  	s25 =	sshll.u32 s1, $0x6;
	[sflag:s19] =	ssyncadd.s32 $0xFFFFC000  }
0x67: {  	s26 =	sshrl.u32 s5, $0x3;
	s23 =	sor.u32 $0x1C02, s25;
	[bflag:$0x0] =	sbarrier.arrive $0xFFFF  }
0x68: {  	[hbm:s10], [sflag:s23] =	dma.local [spmem:s26], $0x800  }
0x69: {  	_ =	swait.ge [sflag:s19], $0x800  }
0x6a: {  	[sflag:s19] =	ssyncset.done $0x0  }
0x6b: {  	s28 =	sshrl.u32 s6, $0x3;
	[sflag:s19] =	ssyncadd.s32 $0xFFFFF800  }
0x6c: {  	[hbm:s11], [sflag:s23] =	dma.local [spmem:s28], $0x800  }
0x6d: {  	_ =	swait.ge [sflag:s19], $0x800  }
0x6e: {  	[sflag:s19] =	ssyncset.done $0x0  }
0x6f: {  	s29 =	sshrl.u32 s7, $0x3;
	[sflag:s19] =	ssyncadd.s32 $0xFFFFF800  }
0x70: {  	[hbm:s12], [sflag:s23] =	dma.local [spmem:s29], $0x800  }
0x71: {  	_ =	swait.ge [sflag:s19], $0x800  }
0x72: {  	[sflag:s19] =	ssyncset.done $0x0  }
0x73: {  	s30 =	sshrl.u32 s8, $0x3;
	[sflag:s19] =	ssyncadd.s32 $0xFFFFF800  }
0x74: {  	[hbm:s13], [sflag:s23] =	dma.local [spmem:s30], $0x800  }
0x75: {  	s22 =	sadd.s32 $0x1, s22;
	_ =	swait.ge [sflag:s19], $0x800  }
0x76: {  	p0 =	sne.s32 s22, s15;
	[sflag:s19] =	ssyncset.done $0x0  }
.Ltmp2:
0x77: {  	s31 =	sshrl.u32 s9, $0x3;
	[sflag:s19] =	ssyncadd.s32 $0xFFFFF800;
	(pc) =	sbr.rel @p0 .LBB2_1-.Ltmp2, $4  }
0x78: {  	[hbm:s14], [sflag:s23] =	dma.local [spmem:s31], $0x800  }
0x79: {  	_ =	swait.ge [sflag:s19], $0x800  }
0x7a: {  	[sflag:s19] =	ssyncset.done $0x0  }
0x7b: {  	[sflag:s19] =	ssyncadd.s32 $0xFFFFF800  }
0x7c: {  	_ =	sfence.sel $0x180000  }
0x7d: {  	[bflag:$0x0] =	sbarrier.arrive $0xFFFF  }
0x7e: {  	p0 =	sne.s32 s1, $0x0;
	_ =	strace $0x9000004D  }
0x7f: {  	s0 =	sadd.s32 @!p0 $0x100000, s0;
	[bflag:$0x2] =	sbarrier.arrive $0xFFFF  }
0x80: {  	[sflag:s0] =	ssyncadd.tile.s32 @!p0 $0x1;
	_ =	shalt  }
.Lfunc_end2:
_tile_overlayer_lowered:
.L_overlay_start_2:
0x81: {  	(tag) =	ssettag $0x2  }
0x82: {  	s0 =	rddreg [dreg:$0x0];
	s2 =	stileid.u32  }
0x83: {  	s1 =	rddreg [dreg:$0x1];
	p0 =	sne.s32 s2, $0x0  }
0x84: {  	s3 =	rddreg [dreg:$0x2];
	[bflag:$0x3] =	sbarrier.arrive $0xFFFF;
	s2 =	simm.s32 @!p0 $0x1C02  }
0x85: {  	[timem:s3], [sflag:s2] =	dma.local @!p0 [hbm:s0], s1  }
0x86: {  	s0 =	simm.s32 @!p0 $0x2  }
0x87: {  	_ =	swait.ge @!p0 [sflag:s0], s1  }
0x88: {  	s1 =	ssub.s32 @!p0 $0x0, s1;
	[sflag:s0] =	ssyncset.done @!p0 $0x0  }
0x89: {  	[sflag:s0] =	ssyncadd.s32 @!p0 s1  }
0x8a: {  	[bflag:$0x3] =	sbarrier.arrive $0xFFFF  }
0x8b: {  	_ =	shalt  }

// kernel: kernel.9.cloned.1.call-start
scs
__scs_entry_jumppad:
0x0: {  	(pc) =	sbr.rel $0x88, $3  }
0x1: {  	(tag) =	ssettag $0x0;
	lr =	simm.s32 $0x1  }
0x2: {  	[smem:$0x3F91] =	sst lr;
	_ =	strace $0xD0000000  }
0x3: {  	_ = 	snop  }
0x4: {  	_ = 	snop  }
0x5: {  	_ = 	snop  }
0x6: {  	_ = 	snop  }
0x7: {  	_ = 	snop  }
__scs_overlays_trampoline_lowered:
0x8: {  	[smem:$0x3FA0] =	sst s0  }
0x9: {  	[smem:$0x3FA1] =	sst s1  }
0xa: {  	[smem:$0x3FA2] =	sst s2  }
0xb: {  	[smem:$0x3FA3] =	sst s3  }
0xc: {  	[smem:$0x3FA4] =	sst s4  }
0xd: {  	[smem:$0x3FA5] =	sst s5  }
0xe: {  	[smem:$0x3FA6] =	sst s6  }
0xf: {  	[smem:$0x3FA7] =	sst s7  }
0x10: {  	[smem:$0x3FA8] =	sst s8  }
0x11: {  	[smem:$0x3FA9] =	sst s9;
	s0 =	simm.s32 @!p0 $0x0  }
0x12: {  	s1 =	sld [smem:$0x3F8F];
	s0 =	simm.s32 @p0 $0x1  }
0x13: {  	[smem:$0x3FAA] =	sst s0;
	s0 =	simm.s32 @!p1 $0x0  }
0x14: {  	s2 =	sld [smem:$0x3F8E];
	s0 =	simm.s32 @p1 $0x1  }
0x15: {  	[smem:$0x3FAB] =	sst s0;
	s0 =	simm.s32 @!p2 $0x0  }
0x16: {  	s3 =	sld [smem:$0x3FDB];
	s0 =	simm.s32 @p2 $0x1  }
0x17: {  	s4 =	simm.s32 $0x1BF5;
	[smem:$0x3FAD] =	sst s0  }
0x18: {  	s0 =	sld [smem:$0x3F90];
	_ =	swait.ge [sflag:s4], $0x0  }
0x19: {  	s7 =	sld [smem:$0x3F91]  }
0x1a: {  	s8 =	sadd.s32 $0xFFFFE003, lr  }
0x1b: {  	s9 =	sadd.s32 $0xFFFFFEF7, lr;
	s5 =	simm.s32 $0xFFFFFFFF;
	p2 =	slt.u32 s8, $0xFFFFF086  }
0x1c: {  	p1 =	slt.u32 s9, $0xF7A;
	s5 =	simm.s32 @!p2 $0x0  }
0x1d: {  	s5 =	simm.s32 @p1 $0x1;
	p0 =	seq.s32 s7, s2  }
0x1e: {  	s7 =	smul.u32 @!p0 $0xF7A, s2;
	p2 =	seq.s32 @!p0 s5, $0x0  }
0x1f: {  	s9 =	smul.u32 $0xF7A, s1;
	s8 =	simm.s32 @!p0 $0x1BF5;
	p2 =	por !p2, p0  }
0x20: {  	[sflag:s8] =	ssyncset.s32 @!p0 $0xFFFFF086;
	s6 =	sadd.s32 @!p0 s3, s7;
	s7 =	simm.s32 @!p0 $0x108  }
0x21: {  	s3 =	sadd.s32 s3, s9;
	s6 =	sadd.s32 @!p0 $0x88, s6;
	s7 =	simm.s32 @p2 $0x1082  }
0x22: {  	[simem:s7], [sflag:s8] =	dma.local @!p0 [hbm:s6], $0xF7A  }
0x23: {  	s9 =	sor.u32 $0xD0000000, s2;
	s6 =	simm.s32 $0x108;
	_ =	swait.ge @!p0 [sflag:s8], $0x0  }
0x24: {  	s3 =	sadd.s32 $0x88, s3;
	s6 =	simm.s32 @!p1 $0x1082;
	[sflag:s4] =	ssyncset.s32 $0xFFFFF086  }
0x25: {  	[simem:s6], [sflag:s4] =	dma.local [hbm:s3], $0xF7A  }
0x26: {  	[smem:$0x3F91] =	sst s1;
	(tag) =	ssettag s2;
	_ =	strace s9  }
0x27: {  	s1 =	sld [smem:$0x3FA1]  }
0x28: {  	s2 =	sld [smem:$0x3FA2]  }
0x29: {  	s4 =	sld [smem:$0x3FA4]  }
0x2a: {  	p0 =	seq.s32 s5, $0x0;
	s5 =	sld [smem:$0x3FA5]  }
0x2b: {  	s6 =	sld [smem:$0x3FA6]  }
0x2c: {  	s7 =	sld [smem:$0x3FA7]  }
0x2d: {  	s3 =	simm.s32 $0x108;
	s8 =	sld [smem:$0x3FA8]  }
0x2e: {  	s3 =	simm.s32 @!p0 $0x1082;
	s9 =	sld [smem:$0x3FA9]  }
0x2f: {  	lr =	sadd.s32 s0, s3;
	s0 =	sld [smem:$0x3FA0]  }
0x30: {  	s3 =	sld [smem:$0x3FA3]  }
0x31: {  	[smem:$0x3FAC] =	sst s10  }
0x32: {  	s10 =	sld [smem:$0x3FAA];
	_ =	sdelay $0x3  }
0x33: {  	p0 =	seq.s32 s10, $0x1;
	s10 =	sld [smem:$0x3FAC];
	_ =	sdelay $0x3  }
0x34: {  	[smem:$0x3FAC] =	sst s10  }
0x35: {  	s10 =	sld [smem:$0x3FAB];
	_ =	sdelay $0x3  }
0x36: {  	p1 =	seq.s32 s10, $0x1;
	s10 =	sld [smem:$0x3FAC];
	_ =	sdelay $0x3  }
0x37: {  	[smem:$0x3FAC] =	sst s10  }
0x38: {  	s10 =	sld [smem:$0x3FAD]  }
0x39: {  	_ = 	snop;
	(pc) =	sbr.ind lr, $3  }
0x3a: {  	_ = 	snop  }
0x3b: {  	_ = 	snop  }
0x3c: {  	p2 =	seq.s32 s10, $0x1;
	s10 =	sld [smem:$0x3FAC]  }
0x3d: {  	_ =	shalt  }
0x3e: {  	_ =	shalt  }
0x3f: {  	_ =	shalt  }
0x40: {  	_ =	shalt  }
0x41: {  	_ =	shalt  }
0x42: {  	_ =	shalt  }
0x43: {  	_ =	shalt  }
0x44: {  	_ =	shalt  }
0x45: {  	_ =	shalt  }
0x46: {  	_ =	shalt  }
0x47: {  	_ =	shalt  }
0x48: {  	_ =	shalt  }
0x49: {  	_ =	shalt  }
0x4a: {  	_ =	shalt  }
0x4b: {  	_ =	shalt  }
0x4c: {  	_ =	shalt  }
0x4d: {  	_ =	shalt  }
0x4e: {  	_ =	shalt  }
0x4f: {  	_ =	shalt  }
0x50: {  	_ =	shalt  }
0x51: {  	_ =	shalt  }
0x52: {  	_ =	shalt  }
0x53: {  	_ =	shalt  }
0x54: {  	_ =	shalt  }
0x55: {  	_ =	shalt  }
0x56: {  	_ =	shalt  }
0x57: {  	_ =	shalt  }
0x58: {  	_ =	shalt  }
0x59: {  	_ =	shalt  }
0x5a: {  	_ =	shalt  }
0x5b: {  	_ =	shalt  }
0x5c: {  	_ =	shalt  }
0x5d: {  	_ =	shalt  }
0x5e: {  	_ =	shalt  }
0x5f: {  	_ =	shalt  }
0x60: {  	_ =	shalt  }
0x61: {  	_ =	shalt  }
0x62: {  	_ =	shalt  }
0x63: {  	_ =	shalt  }
0x64: {  	_ =	shalt  }
0x65: {  	_ =	shalt  }
0x66: {  	_ =	shalt  }
0x67: {  	_ =	shalt  }
0x68: {  	_ =	shalt  }
0x69: {  	_ =	shalt  }
0x6a: {  	_ =	shalt  }
0x6b: {  	_ =	shalt  }
0x6c: {  	_ =	shalt  }
0x6d: {  	_ =	shalt  }
0x6e: {  	_ =	shalt  }
0x6f: {  	_ =	shalt  }
0x70: {  	_ =	shalt  }
0x71: {  	_ =	shalt  }
0x72: {  	_ =	shalt  }
0x73: {  	_ =	shalt  }
0x74: {  	_ =	shalt  }
0x75: {  	_ =	shalt  }
0x76: {  	_ =	shalt  }
0x77: {  	_ =	shalt  }
0x78: {  	_ =	shalt  }
0x79: {  	_ =	shalt  }
0x7a: {  	_ =	shalt  }
0x7b: {  	_ =	shalt  }
0x7c: {  	_ =	shalt  }
0x7d: {  	_ =	shalt  }
0x7e: {  	_ =	shalt  }
0x7f: {  	_ =	shalt  }
0x80: {  	_ =	shalt  }
0x81: {  	_ =	shalt  }
0x82: {  	_ =	shalt  }
0x83: {  	_ =	shalt  }
0x84: {  	_ =	shalt  }
0x85: {  	_ =	shalt  }
0x86: {  	_ =	shalt  }
0x87: {  	_ =	shalt  }
.Lfunc_end0:
.L_simem_size_0:
called_computation_lowered:
.L_overlay_start_0:
0x88: {  	s2 =	sld [smem:$0x3FD9]  }
0x89: {  	s3 =	sld [smem:$0x3FFE];
	_ =	sdelay $0x1  }
0x8a: {  	s1 =	srdreg.scid  }
0x8b: {  	s0 =	sand.u32 $0x1, s1  }
0x8c: {  	s17 =	sshll.u32 s0, $0xA;
	s2 =	sadd.s32 s3, s2  }
0x8d: {  	s2 =	sadd.s32 s2, s17  }
0x8e: {  	[smem:$0x3FB8] =	sst s2  }
0x8f: {  	_ = 	snop  }
0x90: {  	s2 =	sld [smem:$0x3FD0];
	(tm) =	ssettm $0x1  }
0x91: {  	s18 =	sld [smem:$0x3FFB];
	_ =	sdelay $0x3  }
0x92: {  	_ =	strace s18  }
0x93: {  	s3 =	sld [smem:$0x3FFC];
	_ =	sdelay $0x3  }
0x94: {  	_ =	strace s3  }
0x95: {  	s3 =	sld [smem:$0x3FFD];
	_ =	sdelay $0x3  }
0x96: {  	_ =	strace s3  }
0x97: {  	_ =	strace $0x8FFFFFFF  }
0x98: {  	s19 =	sld [smem:$0x3FDB];
	_ =	sdelay $0x1  }
0x99: {  	s4 =	simm.s32 $_scs_section_size  }
0x9a: {  	s5 =	simm.s32 $_size__tile_overlayer_lowered;
	s6 =	simm.s32 $_tile_overlayer_lowered  }
0x9b: {  	s22 =	simm.s32 $0x1BFF;
	s21 =	sshll.u32 s6, $0x1;
	s3 =	sadd.s32 s4, s19  }
0x9c: {  	s7 =	simm.s32 $0x0;
	s20 =	sshll.u32 s5, $0x1;
	s5 =	sadd.s32 s21, s3  }
0x9d: {  	[timem:s7], [sflag:s22] =	dma.local [hbm:s5], s20  }
0x9e: {  	_ =	swait.ge [sflag:s22], s20  }
0x9f: {  	s4 =	ssub.s32 $0x0, s20;
	[sflag:s22] =	ssyncset.done $0x0  }
0xa0: {  	[sflag:s22] =	ssyncadd.s32 s4;
	_ =	sdelay $0x1  }
0xa1: {  	s23 =	simm.s32 $0x1B8B  }
0xa2: {  	_ =	swait.ge [sflag:s23], $0x1  }
0xa3: {  	[sflag:s23] =	ssyncset.done $0x0  }
0xa4: {  	s25 =	simm.s32 $0x1B8E;
	s24 =	sld [smem:$0x3FFE];
	[sflag:s23] =	ssyncadd.s32 $0xFFFFFFFF  }
0xa5: {  	s26 =	simm.s32 $execute0_lowered;
	[smem:$0x3FD2] =	sst s25  }
0xa6: {  	s5 =	sshll.u32 s26, $0x1;
	_ =	strace $0x80000046;
	[dreg:$0x1] =	wrdreg $0xFFFFFFFF  }
0xa7: {  	s28 =	simm.s32 $_size_execute0_lowered;
	s3 =	sadd.s32 s3, s5;
	[dreg:$0x0] =	wrdreg $0x0  }
0xa8: {  	s5 =	sshll.u32 s28, $0x1;
	[dreg:$0x2] =	wrdreg s3  }
0xa9: {  	[dreg:$0x3] =	wrdreg s5  }
0xaa: {  	[dreg:$0x4] =	wrdreg $0xC0  }
0xab: {  	_ =	task [dreg:s7], $0x5FFFF  }
0xac: {  	[dreg:$0x1] =	wrdreg $0xFFFFFFFF  }
0xad: {  	[dreg:$0x0] =	wrdreg $0x60  }
0xae: {  	[dreg:$0x2] =	wrdreg s24  }
0xaf: {  	[dreg:$0x3] =	wrdreg s2  }
0xb0: {  	[dreg:$0x4] =	wrdreg $0x9  }
0xb1: {  	_ =	task.clear_ibuf [dreg:s7], $0x5FFFF;
	_ =	strace $0x90000046  }
0xb2: {  	s29 =	simm.s32 $0x9;
	_ =	strace $0x80000048  }
0xb3: {  	_ =	swait.ge [sflag:s29], $0x1  }
0xb4: {  	[sflag:s29] =	ssyncadd.s32 $0xFFFFFFFF  }
0xb5: {  	_ =	strace $0x90000048  }
0xb6: {  	_ =	sfence  }
0xb7: {  	s30 =	sld [smem:$0x0];
	_ =	sdelay $0x2  }
0xb8: {  	s31 =	sshll.u32 s1, $0xD;
	s1 =	sshrl.u32 s1, $0x2  }
0xb9: {  	s3 =	sand.u32 $0x4000, s31;
	s1 =	sadd.s32 s1, s30  }
0xba: {  	s0 =	sor.u32 s3, s0;
	s1 =	sshll.u32 s1, $0x11  }
0xbb: {  	s0 =	sor.u32 s1, s0  }
0xbc: {  	s0 =	sadd.s32 $0x8F2B, s0  }
0xbd: {  	[sflag:s0] =	ssyncadd.remote.s32 $0x1  }
0xbe: {  	_ =	sfence.sel $0xFFFF  }
0xbf: {  	[dreg:$0x0] =	wrdreg $0xFFFFFFFF;
	(pc) =	sbr.abs _section_cstart, $3  }
0xc0: {  	[dreg:$0x1] =	wrdreg $0xFFFFFFFF  }
0xc1: {  	_ =	task.clear_ibuf [dreg:s7], $0x2FFFF;
	_ =	strace $0x9FFFFFFF  }
0xc2: {  	(tm) =	ssettm $0x7FFFFFFF  }
0xc3: {  	_ =	shalt  }
tec
execute0_lowered:
.L_overlay_start_1:
0x0: {  	(tag) =	ssettag $0x1  }
0x1: {  	s3 =	rddreg [dreg:$0x0]  }
0x2: {  	s4 =	rddreg [dreg:$0x1];
	s2 =	srdreg.scid  }
0x3: {  	s0 =	rddreg [dreg:$0x2];
	s1 =	stileid.u32  }
0x4: {  	s12 =	simm.s32 $0x80;
	s13 =	simm.s32 $0x400;
	s14 =	simm.s32 $0x0  }
0x5: {  	s5 =	sand.u32 $0x1, s2;
	s2 =	simm.s32 $0x0;
	s7 =	sshrl.u32 s1, $0x3  }
0x6: {  	s30 =	sshll.u32 s1, $0x7;
	s6 =	smul.u32 $0x28000, s5;
	[smem:$0x7FF] =	sst s2  }
0x7: {  	s8 =	sshll.u32 s5, $0x4;
	s9 =	smul.u32 $0x14000, s7;
	s11 =	sshll.u32 s5, $0xB  }
0x8: {  	s7 =	sshll.u32 s7, $0xA;
	s5 =	ssub.s32 $0x2, s5;
	_ =	strace $0x80000047  }
0x9: {  	s8 =	sor.u32 s1, s8;
	s7 =	sor.u32 s11, s7;
	s31 =	sshrl.u32 s5, $0x1  }
0xa: {  	s10 =	smul.u32 $0x4F0, s8;
	s6 =	sadd.s32 s6, s9;
	s9 =	sand.u32 $0x380, s30  }
0xb: {  	s11 =	simm.s32 $0x5100;
	s8 =	smul.u32 $0x28, s8;
	s6 =	sor.u32 s9, s6  }
0xc: {  	s7 =	sor.u32 s9, s7;
	s9 =	ssub.s32 s5, s31;
	s10 =	sadd.s32 s10, s3  }
0xd: {  	s6 =	sshrl.u32 s6, $0x3;
	s7 =	sshrl.u32 s7, $0x3;
	s4 =	sadd.s32 s4, s8  }
0xe: {  	s8 =	simm.s32 $0x1;
	s6 =	sadd.s32 s6, s3;
	s7 =	sadd.s32 s7, s3  }
0xf: {  	s3 =	sadd.s32 $0x3400, s10;
	s10 =	simm.s32 $0x4F80;
	s5 =	sadd.s32 $0xD200, s6  }
0x10: {  	v0 =	vimm.f32 $0.0e+00;
	v1 =	vimm.f32 $1.000000000e+00;
	s6 =	sadd.s32 $0x17200, s7;
	s7 =	smax.u32 s9, $0x1;
	s9 =	simm.s32 $0x2780  }
.LBB2_1:
0x11: {  	s15 =	simm.s32 $0x40;
	s16 =	simm.s32 $0x0  }
.LBB2_2:
0x12: {  	p0 =	sne.s32 s15, $0x9FC0;
	[tilespmem:s16+$0x2780] =	vst v0;
	s16 =	smov.u32 s15;
	s15 =	sadd.s32 $0x40, s15  }
.Ltmp0:
0x13: {  	(pc) =	sbr.rel @p0 .LBB2_2-.Ltmp0, $2  }
0x14: {  	_ =	sdelay $0x2  }
0x15: {  	s16 =	sshra.s32 s16, $0x2  }
0x16: {  	[tilespmem:s16+$0x2780] =	vst v0  }
0x17: {  	[tilespmem:$0x5100] =	vst v0  }
0x18: {  	[tilespmem:$0x5110] =	vst v0  }
0x19: {  	[tilespmem:$0x5120] =	vst v0  }
0x1a: {  	[tilespmem:$0x5130] =	vst v0  }
0x1b: {  	[tilespmem:$0x5140] =	vst v0  }
0x1c: {  	[tilespmem:$0x5150] =	vst v0  }
0x1d: {  	[tilespmem:$0x5160] =	vst v0  }
0x1e: {  	s15 =	simm.s32 $0x0;
	[tilespmem:$0x5170] =	vst v0  }
0x1f: {  	[tilespmem:s15], [sflag:$0x1] =	stream.linear.gather [hbm4b:s3+s15], $0x2780, $0x38;
	[tilespmem:$0x5180] =	vst v63  }
0x20: {  	_ =	swait.ge [sflag:s8], $0x2780  }
0x21: {  	[sflag:s8] =	ssyncset.done $0x0  }
0x22: {  	s16 =	simm.s32 $0x0;
	s15 =	simm.s32 $0x40;
	[sflag:s8] =	ssyncadd.s32 $0xFFFFD880  }
.LBB2_4:
0x23: {  	p0 =	sne.s32 s15, $0x9DC0;
	v2 =	vld [tilespmem:s16+$0x0];
	_ =	sdelay $0x3  }
.Ltmp1:
0x24: {  	(pc) =	sbr.rel @p0 .LBB2_4-.Ltmp1, $2  }
0x25: {  	_ =	sdelay $0x2  }
0x26: {  	s16 =	sshra.s32 s15, $0x2;
	s15 =	sadd.s32 $0x40, s15;
	[tilespmem:v2+s9+$0x0] =	vst.idx.add.f32.msk $0xffff, v1  }
0x27: {  	v2 =	vld [tilespmem:s16+$0x0];
	_ =	sdelay $0x7  }
0x28: {  	[tilespmem:v2+s9+$0x0] =	vst.idx.add.f32.msk $0xffff, v1  }
0x29: {  	[tilespmem:s10], [sflag:$0x1] =	stream.linear.gather [hbm4b:s4+s2], $0x140, $0x38;
	[tilespmem:$0x5180] =	vst v63  }
0x2a: {  	_ =	swait.ge [sflag:s8], $0x140  }
0x2b: {  	[sflag:s8] =	ssyncset.done $0x0  }
0x2c: {  	[sflag:s8] =	ssyncadd.s32 $0xFFFFFEC0  }
0x2d: {  	v2 =	vld [tilespmem:$0x4F80];
	_ =	sdelay $0x7  }
0x2e: {  	[tilespmem:v2+s11+$0x0] =	vst.idx.add.f32.msk $0xffff, v1  }
0x2f: {  	v2 =	vld [tilespmem:$0x4F90];
	_ =	sdelay $0x7  }
0x30: {  	[tilespmem:v2+s11+$0x0] =	vst.idx.add.f32.msk $0xffff, v1  }
0x31: {  	v2 =	vld [tilespmem:$0x4FA0];
	_ =	sdelay $0x7  }
0x32: {  	[tilespmem:v2+s11+$0x0] =	vst.idx.add.f32.msk $0xffff, v1  }
0x33: {  	v2 =	vld [tilespmem:$0x4FB0];
	_ =	sdelay $0x7  }
0x34: {  	[tilespmem:v2+s11+$0x0] =	vst.idx.add.f32.msk $0xffff, v1  }
0x35: {  	v2 =	vld [tilespmem:$0x4FC0];
	_ =	sdelay $0x7  }
0x36: {  	[tilespmem:v2+s11+$0x0] =	vst.idx.add.f32.msk $0xffff, v1  }
0x37: {  	v2 =	vld [tilespmem:$0x4FD0];
	_ =	sdelay $0x7  }
0x38: {  	[tilespmem:v2+s11+$0x0] =	vst.idx.add.f32.msk $0xffff, v1  }
0x39: {  	v2 =	vld [tilespmem:$0x4FE0];
	_ =	sdelay $0x7  }
0x3a: {  	[tilespmem:v2+s11+$0x0] =	vst.idx.add.f32.msk $0xffff, v1  }
0x3b: {  	v2 =	vld [tilespmem:$0x4FF0];
	_ =	sdelay $0x7  }
0x3c: {  	[tilespmem:v2+s11+$0x0] =	vst.idx.add.f32.msk $0xffff, v1  }
0x3d: {  	v2 =	vld [tilespmem:$0x5000];
	_ =	sdelay $0x7  }
0x3e: {  	[tilespmem:v2+s11+$0x0] =	vst.idx.add.f32.msk $0xffff, v1  }
0x3f: {  	v2 =	vld [tilespmem:$0x5010];
	_ =	sdelay $0x7  }
0x40: {  	[tilespmem:v2+s11+$0x0] =	vst.idx.add.f32.msk $0xffff, v1  }
0x41: {  	v2 =	vld [tilespmem:$0x5020];
	_ =	sdelay $0x7  }
0x42: {  	[tilespmem:v2+s11+$0x0] =	vst.idx.add.f32.msk $0xffff, v1  }
0x43: {  	v2 =	vld [tilespmem:$0x5030];
	_ =	sdelay $0x7  }
0x44: {  	[tilespmem:v2+s11+$0x0] =	vst.idx.add.f32.msk $0xffff, v1  }
0x45: {  	v2 =	vld [tilespmem:$0x5040];
	_ =	sdelay $0x7  }
0x46: {  	[tilespmem:v2+s11+$0x0] =	vst.idx.add.f32.msk $0xffff, v1  }
0x47: {  	v2 =	vld [tilespmem:$0x5050];
	_ =	sdelay $0x7  }
0x48: {  	[tilespmem:v2+s11+$0x0] =	vst.idx.add.f32.msk $0xffff, v1  }
0x49: {  	v2 =	vld [tilespmem:$0x5060];
	_ =	sdelay $0x7  }
0x4a: {  	[tilespmem:v2+s11+$0x0] =	vst.idx.add.f32.msk $0xffff, v1  }
0x4b: {  	v2 =	vld [tilespmem:$0x5070];
	_ =	sdelay $0x7  }
0x4c: {  	[tilespmem:v2+s11+$0x0] =	vst.idx.add.f32.msk $0xffff, v1  }
0x4d: {  	v2 =	vld [tilespmem:$0x5080];
	_ =	sdelay $0x7  }
0x4e: {  	[tilespmem:v2+s11+$0x0] =	vst.idx.add.f32.msk $0xffff, v1  }
0x4f: {  	v2 =	vld [tilespmem:$0x5090];
	_ =	sdelay $0x7  }
0x50: {  	[tilespmem:v2+s11+$0x0] =	vst.idx.add.f32.msk $0xffff, v1  }
0x51: {  	v2 =	vld [tilespmem:$0x50A0];
	_ =	sdelay $0x7  }
0x52: {  	[tilespmem:v2+s11+$0x0] =	vst.idx.add.f32.msk $0xffff, v1  }
0x53: {  	v2 =	vld [tilespmem:$0x50B0];
	_ =	sdelay $0x7  }
0x54: {  	[tilespmem:v2+s11+$0x0] =	vst.idx.add.f32.msk $0xffff, v1  }
0x55: {  	[hbm4b:s5+s12] =	stream.strided.scatter [tilespmem:s9], [sflag:$0x1], $0x2800, s13, s12, $0x38;
	[tilespmem:$0x5180] =	vst v63  }
0x56: {  	s14 =	sadd.s32 $0x1, s14;
	_ =	swait.ge [sflag:s8], $0x2800  }
0x57: {  	p0 =	sne.s32 s14, s7;
	[sflag:s8] =	ssyncset.done $0x0  }
.Ltmp2:
0x58: {  	[sflag:s8] =	ssyncadd.s32 $0xFFFFD800;
	(pc) =	sbr.rel @p0 .LBB2_1-.Ltmp2, $4  }
0x59: {  	[hbm4b:s6+s2] =	stream.linear.scatter [tilespmem:s11], [sflag:$0x1], $0x80, $0x38;
	[tilespmem:$0x5180] =	vst v63  }
0x5a: {  	_ =	swait.ge [sflag:s8], $0x80  }
0x5b: {  	[sflag:s8] =	ssyncset.done $0x0  }
0x5c: {  	[sflag:s8] =	ssyncadd.s32 $0xFFFFFF80  }
0x5d: {  	_ =	sfence.sel $0x180000  }
0x5e: {  	[bflag:$0x0] =	sbarrier.arrive $0xFFFF  }
0x5f: {  	p0 =	sne.s32 s1, $0x0;
	_ =	strace $0x90000047  }
0x60: {  	s0 =	sadd.s32 @!p0 $0x100000, s0;
	[bflag:$0x2] =	sbarrier.arrive $0xFFFF  }
0x61: {  	[sflag:s0] =	ssyncadd.tile.s32 @!p0 $0x1;
	_ =	shalt  }
.Lfunc_end2:
_tile_overlayer_lowered:
.L_overlay_start_2:
0x62: {  	(tag) =	ssettag $0x2  }
0x63: {  	s0 =	rddreg [dreg:$0x0];
	s2 =	stileid.u32  }
0x64: {  	s1 =	rddreg [dreg:$0x1];
	p0 =	sne.s32 s2, $0x0  }
0x65: {  	s3 =	rddreg [dreg:$0x2];
	[bflag:$0x3] =	sbarrier.arrive $0xFFFF;
	s2 =	simm.s32 @!p0 $0x1C01  }
0x66: {  	[timem:s3], [sflag:s2] =	dma.local @!p0 [hbm:s0], s1  }
0x67: {  	s0 =	simm.s32 @!p0 $0x1  }
0x68: {  	_ =	swait.ge @!p0 [sflag:s0], s1  }
0x69: {  	s1 =	ssub.s32 @!p0 $0x0, s1;
	[sflag:s0] =	ssyncset.done @!p0 $0x0  }
0x6a: {  	[sflag:s0] =	ssyncadd.s32 @!p0 s1  }
0x6b: {  	[bflag:$0x3] =	sbarrier.arrive $0xFFFF  }
0x6c: {  	_ =	shalt  }

</sc_bundles>
